<compile_context>
chip_gen: v7x
topology: tpu7x:2x2x1
jax: 0.10.2.dev20260603
libtpu: 0.0.44.dev20260713+nightly
codegen_flags: <defaults>
</compile_context>

<pallas_src>
import functools

import jax
import jax.numpy as jnp
from jax import lax
from jax.experimental import pallas as pl
from jax.experimental.pallas import tpu as pltpu
from jax.experimental.pallas import tpu_sc as plsc

MAX_LEN = 8192
D_MODEL = 1024
B_TOTAL = 4 * 8192

_NC = 2
_NS = 16
_NW = _NC * _NS
_B_PER_W = B_TOTAL // _NW
_CHUNK = 8
_NBUF = 8
_NCHUNK = _B_PER_W // _CHUNK

_mesh = plsc.VectorSubcoreMesh(core_axis_name="c", subcore_axis_name="s")


@functools.partial(
    pl.kernel,
    mesh=_mesh,
    out_type=jax.ShapeDtypeStruct((B_TOTAL, D_MODEL), jnp.float32),
    scratch_types=[
        pltpu.VMEM((_B_PER_W,), jnp.int32),
        pltpu.VMEM((_NBUF, _CHUNK, D_MODEL), jnp.float32),
        pltpu.SemaphoreType.DMA((_NBUF,)),
        pltpu.SemaphoreType.DMA((_NBUF,)),
    ],
)
def _gather_rows(idx_hbm, table_hbm, out_hbm, idx_v, rows_v, gsem, osem):
    wid = lax.axis_index("s") * _NC + lax.axis_index("c")
    base = wid * _B_PER_W

    pltpu.sync_copy(idx_hbm.at[pl.ds(base, _B_PER_W)], idx_v)

    def issue_gather(g, b):
        pltpu.async_copy(
            table_hbm.at[idx_v.at[pl.ds(g * _CHUNK, _CHUNK)]],
            rows_v.at[b],
            gsem.at[b],
        )

    def finish(g, b):
        pltpu.make_async_copy(
            table_hbm.at[idx_v.at[pl.ds(g * _CHUNK, _CHUNK)]],
            rows_v.at[b],
            gsem.at[b],
        ).wait()
        pltpu.async_copy(
            rows_v.at[b],
            out_hbm.at[pl.ds(base + g * _CHUNK, _CHUNK)],
            osem.at[b],
        )

    def wait_out(g, b):
        pltpu.make_async_copy(
            rows_v.at[b],
            out_hbm.at[pl.ds(base + g * _CHUNK, _CHUNK)],
            osem.at[b],
        ).wait()

    for g in range(_NBUF - 1):
        issue_gather(g, g)

    def outer(o, carry):
        for b in range(_NBUF):
            g = o * _NBUF + b
            finish(g, b)
            nxt = g + _NBUF - 1
            nb = (b + _NBUF - 1) % _NBUF

            @pl.when(nxt < _NCHUNK)
            def _():
                @pl.when(nxt >= _NBUF)
                def _():
                    wait_out(nxt - _NBUF, nb)

                issue_gather(nxt, nb)

        return carry

    lax.fori_loop(0, _NCHUNK // _NBUF, outer, 0)

    for j in range(_NBUF):
        g = _NCHUNK - _NBUF + j
        wait_out(g, g % _NBUF)


def kernel(position_ids, pe):
    flat = position_ids.reshape(-1).astype(jnp.int32)
    out = _gather_rows(flat, pe)
    return out.reshape(position_ids.shape + (pe.shape[1],))

# --- scband reference (transcript-rebuilt; emitter-appended) ---
"""Pipeline reference for scband-sinusoidal-position-embedding-33732673143256 (READ-ONLY COPY).

The authoritative reference and input builder live on the scoring server;
editing this copy changes nothing except your own understanding.
"""

import math
import jax, jax.numpy as jnp
import numpy as np

MAX_LEN = 8192
D_MODEL = 1024
BATCH = 4
SEQ_LEN = 8192


def _build_pe(max_len, d_model):
    position = np.arange(max_len)[:, None].astype(np.float32)
    div_term = np.exp(np.arange(0, d_model, 2).astype(np.float32) * (-math.log(10000.0) / d_model))
    pe = np.zeros((max_len, d_model), dtype=np.float32)
    pe[:, 0::2] = np.sin(position * div_term)
    pe[:, 1::2] = np.cos(position * div_term)
    return jnp.asarray(pe)


def setup_inputs(seed: int = 0) -> dict:
    key = jax.random.key(seed)
    position_ids = jax.random.randint(key, (BATCH, SEQ_LEN), 0, MAX_LEN)
    pe = _build_pe(MAX_LEN, D_MODEL)
    return {"position_ids": position_ids, "pe": pe}


def reference(position_ids, pe):
    # Faithful translation of: return self.pe[position_ids]
    # gather along axis 0 of the sinusoidal table
    return jnp.take(pe, position_ids, axis=0)

if __name__ == "__main__":
    import jax
    _d = setup_inputs()
    print(jax.jit(kernel)(*tuple(_d.values())))

</pallas_src>

<mosaic_0001>
#map = affine_map<(d0, d1) -> (0)>
#map1 = affine_map<(d0, d1) -> (0, 0)>
module attributes {stable_mosaic.version = 14 : i64} {
  func.func @_gather_rows(%arg0: i32, %arg1: i32, %arg2: memref<32768xi32, #tpu.memory_space<hbm>>, %arg3: memref<8192x1024xf32, #tpu.memory_space<hbm>>, %arg4: memref<32768x1024xf32, #tpu.memory_space<hbm>>, %arg5: memref<1024xi32, #tpu.memory_space<vmem>>, %arg6: memref<8x8x1024xf32, #tpu.memory_space<vmem>>, %arg7: memref<8x!tpu.dma_semaphore, #tpu.memory_space<semaphore_mem>>, %arg8: memref<8x!tpu.dma_semaphore, #tpu.memory_space<semaphore_mem>>) attributes {dimension_semantics = [#tpu.dimension_semantics<core_parallel>, #tpu.dimension_semantics<subcore_parallel>], iteration_bounds = array<i64: 2, 16>, scalar_prefetch = 0 : i64, scratch_operands = 4 : i64, tpu.core_type = #tpu.core_type<sc_vector_subcore>, window_params = [{transform_indices = #map}, {transform_indices = #map1}, {transform_indices = #map1}]} {
    %mul3A = arith.constant 2 : i32
    %mul3A_0 = arith.muli %arg1, %mul3A : i32
    %add3A = arith.addi %mul3A_0, %arg0 : i32
    %mul3A_1 = arith.constant 1024 : i32
    %mul3A_2 = arith.muli %add3A, %mul3A_1 : i32
    "tpu.region"() ({
      %run_scoped3A = tpu.sem_alloc : memref<!tpu.dma_semaphore, #tpu.memory_space<semaphore_mem>>
      %dma_start3A_241 = tpu.memref_slice %arg2[%mul3A_2] : memref<32768xi32, #tpu.memory_space<hbm>> -> memref<1024xi32, #tpu.memory_space<hbm>>
      %dma_start3A_242 = tpu.memref_slice %arg2[%mul3A_2] : memref<32768xi32, #tpu.memory_space<hbm>> -> memref<1024xi32, #tpu.memory_space<hbm>>
      tpu.enqueue_dma source(%dma_start3A_242 : memref<1024xi32, #tpu.memory_space<hbm>>) target(%arg5 : memref<1024xi32, #tpu.memory_space<vmem>>) target_semaphore(%run_scoped3A : memref<!tpu.dma_semaphore, #tpu.memory_space<semaphore_mem>>)
      %dma_wait3A_243 = tpu.memref_slice %arg2[%mul3A_2] : memref<32768xi32, #tpu.memory_space<hbm>> -> memref<1024xi32, #tpu.memory_space<hbm>>
      %dma_wait3A_244 = tpu.memref_slice %arg2[%mul3A_2] : memref<32768xi32, #tpu.memory_space<hbm>> -> memref<1024xi32, #tpu.memory_space<hbm>>
      tpu.wait_dma2 semaphore(%run_scoped3A : memref<!tpu.dma_semaphore, #tpu.memory_space<semaphore_mem>>) src(%dma_wait3A_244 : memref<1024xi32, #tpu.memory_space<hbm>>) dst(%arg5 : memref<1024xi32, #tpu.memory_space<vmem>>)
      tpu.yield
    }) : () -> ()
    %dma_start3A = arith.constant 0 : i32
    %dma_start3A_3 = arith.constant 0 : i32
    %dma_start3A_4 = arith.constant 0 : i32
    %dma_start3A_5 = arith.constant 0 : i32
    %dma_start3A_6 = tpu.memref_slice %arg6[%dma_start3A, %dma_start3A_4, %dma_start3A_5] : memref<8x8x1024xf32, #tpu.memory_space<vmem>> -> memref<1x8x1024xf32, #tpu.memory_space<vmem>>
    %dma_start3A_7 = tpu.memref_squeeze %dma_start3A_6 : memref<1x8x1024xf32, #tpu.memory_space<vmem>> -> memref<8x1024xf32, #tpu.memory_space<vmem>>
    %dma_start3A_8 = arith.constant 0 : i32
    %dma_start3A_9 = tpu.memref_slice %arg5[%dma_start3A_8] : memref<1024xi32, #tpu.memory_space<vmem>> -> memref<8xi32, #tpu.memory_space<vmem>>
    %dma_start3A_10 = arith.constant 0 : i32
    %dma_start3A_11 = arith.constant 0 : i32
    %dma_start3A_12 = tpu.memref_slice %arg3[%dma_start3A_10, %dma_start3A_11] : memref<8192x1024xf32, #tpu.memory_space<hbm>> -> memref<8192x1024xf32, #tpu.memory_space<hbm>>
    %dma_start3A_13 = tpu.memref_slice %arg7[%dma_start3A_3] : memref<8x!tpu.dma_semaphore, #tpu.memory_space<semaphore_mem>> -> memref<1x!tpu.dma_semaphore, #tpu.memory_space<semaphore_mem>>
    %dma_start3A_14 = tpu.memref_squeeze %dma_start3A_13 : memref<1x!tpu.dma_semaphore, #tpu.memory_space<semaphore_mem>> -> memref<!tpu.dma_semaphore, #tpu.memory_space<semaphore_mem>>
    tpu.enqueue_indirect_dma source(%dma_start3A_12 : memref<8192x1024xf32, #tpu.memory_space<hbm>>) target(%dma_start3A_7 : memref<8x1024xf32, #tpu.memory_space<vmem>>) offsets(%dma_start3A_9 : memref<8xi32, #tpu.memory_space<vmem>>) semaphore(%dma_start3A_14 : memref<!tpu.dma_semaphore, #tpu.memory_space<semaphore_mem>>)
    %dma_start3A_15 = arith.constant 1 : i32
    %dma_start3A_16 = arith.constant 1 : i32
    %dma_start3A_17 = arith.constant 0 : i32
    %dma_start3A_18 = arith.constant 0 : i32
    %dma_start3A_19 = tpu.memref_slice %arg6[%dma_start3A_15, %dma_start3A_17, %dma_start3A_18] : memref<8x8x1024xf32, #tpu.memory_space<vmem>> -> memref<1x8x1024xf32, #tpu.memory_space<vmem>>
    %dma_start3A_20 = tpu.memref_squeeze %dma_start3A_19 : memref<1x8x1024xf32, #tpu.memory_space<vmem>> -> memref<8x1024xf32, #tpu.memory_space<vmem>>
    %dma_start3A_21 = arith.constant 8 : i32
    %dma_start3A_22 = tpu.memref_slice %arg5[%dma_start3A_21] : memref<1024xi32, #tpu.memory_space<vmem>> -> memref<8xi32, #tpu.memory_space<vmem>>
    %dma_start3A_23 = arith.constant 0 : i32
    %dma_start3A_24 = arith.constant 0 : i32
    %dma_start3A_25 = tpu.memref_slice %arg3[%dma_start3A_23, %dma_start3A_24] : memref<8192x1024xf32, #tpu.memory_space<hbm>> -> memref<8192x1024xf32, #tpu.memory_space<hbm>>
    %dma_start3A_26 = tpu.memref_slice %arg7[%dma_start3A_16] : memref<8x!tpu.dma_semaphore, #tpu.memory_space<semaphore_mem>> -> memref<1x!tpu.dma_semaphore, #tpu.memory_space<semaphore_mem>>
    %dma_start3A_27 = tpu.memref_squeeze %dma_start3A_26 : memref<1x!tpu.dma_semaphore, #tpu.memory_space<semaphore_mem>> -> memref<!tpu.dma_semaphore, #tpu.memory_space<semaphore_mem>>
    tpu.enqueue_indirect_dma source(%dma_start3A_25 : memref<8192x1024xf32, #tpu.memory_space<hbm>>) target(%dma_start3A_20 : memref<8x1024xf32, #tpu.memory_space<vmem>>) offsets(%dma_start3A_22 : memref<8xi32, #tpu.memory_space<vmem>>) semaphore(%dma_start3A_27 : memref<!tpu.dma_semaphore, #tpu.memory_space<semaphore_mem>>)
    %dma_start3A_28 = arith.constant 2 : i32
    %dma_start3A_29 = arith.constant 2 : i32
    %dma_start3A_30 = arith.constant 0 : i32
    %dma_start3A_31 = arith.constant 0 : i32
    %dma_start3A_32 = tpu.memref_slice %arg6[%dma_start3A_28, %dma_start3A_30, %dma_start3A_31] : memref<8x8x1024xf32, #tpu.memory_space<vmem>> -> memref<1x8x1024xf32, #tpu.memory_space<vmem>>
    %dma_start3A_33 = tpu.memref_squeeze %dma_start3A_32 : memref<1x8x1024xf32, #tpu.memory_space<vmem>> -> memref<8x1024xf32, #tpu.memory_space<vmem>>
    %dma_start3A_34 = arith.constant 16 : i32
    %dma_start3A_35 = tpu.memref_slice %arg5[%dma_start3A_34] : memref<1024xi32, #tpu.memory_space<vmem>> -> memref<8xi32, #tpu.memory_space<vmem>>
    %dma_start3A_36 = arith.constant 0 : i32
    %dma_start3A_37 = arith.constant 0 : i32
    %dma_start3A_38 = tpu.memref_slice %arg3[%dma_start3A_36, %dma_start3A_37] : memref<8192x1024xf32, #tpu.memory_space<hbm>> -> memref<8192x1024xf32, #tpu.memory_space<hbm>>
    %dma_start3A_39 = tpu.memref_slice %arg7[%dma_start3A_29] : memref<8x!tpu.dma_semaphore, #tpu.memory_space<semaphore_mem>> -> memref<1x!tpu.dma_semaphore, #tpu.memory_space<semaphore_mem>>
    %dma_start3A_40 = tpu.memref_squeeze %dma_start3A_39 : memref<1x!tpu.dma_semaphore, #tpu.memory_space<semaphore_mem>> -> memref<!tpu.dma_semaphore, #tpu.memory_space<semaphore_mem>>
    tpu.enqueue_indirect_dma source(%dma_start3A_38 : memref<8192x1024xf32, #tpu.memory_space<hbm>>) target(%dma_start3A_33 : memref<8x1024xf32, #tpu.memory_space<vmem>>) offsets(%dma_start3A_35 : memref<8xi32, #tpu.memory_space<vmem>>) semaphore(%dma_start3A_40 : memref<!tpu.dma_semaphore, #tpu.memory_space<semaphore_mem>>)
    %dma_start3A_41 = arith.constant 3 : i32
    %dma_start3A_42 = arith.constant 3 : i32
    %dma_start3A_43 = arith.constant 0 : i32
    %dma_start3A_44 = arith.constant 0 : i32
    %dma_start3A_45 = tpu.memref_slice %arg6[%dma_start3A_41, %dma_start3A_43, %dma_start3A_44] : memref<8x8x1024xf32, #tpu.memory_space<vmem>> -> memref<1x8x1024xf32, #tpu.memory_space<vmem>>
    %dma_start3A_46 = tpu.memref_squeeze %dma_start3A_45 : memref<1x8x1024xf32, #tpu.memory_space<vmem>> -> memref<8x1024xf32, #tpu.memory_space<vmem>>
    %dma_start3A_47 = arith.constant 24 : i32
    %dma_start3A_48 = tpu.memref_slice %arg5[%dma_start3A_47] : memref<1024xi32, #tpu.memory_space<vmem>> -> memref<8xi32, #tpu.memory_space<vmem>>
    %dma_start3A_49 = arith.constant 0 : i32
    %dma_start3A_50 = arith.constant 0 : i32
    %dma_start3A_51 = tpu.memref_slice %arg3[%dma_start3A_49, %dma_start3A_50] : memref<8192x1024xf32, #tpu.memory_space<hbm>> -> memref<8192x1024xf32, #tpu.memory_space<hbm>>
    %dma_start3A_52 = tpu.memref_slice %arg7[%dma_start3A_42] : memref<8x!tpu.dma_semaphore, #tpu.memory_space<semaphore_mem>> -> memref<1x!tpu.dma_semaphore, #tpu.memory_space<semaphore_mem>>
    %dma_start3A_53 = tpu.memref_squeeze %dma_start3A_52 : memref<1x!tpu.dma_semaphore, #tpu.memory_space<semaphore_mem>> -> memref<!tpu.dma_semaphore, #tpu.memory_space<semaphore_mem>>
    tpu.enqueue_indirect_dma source(%dma_start3A_51 : memref<8192x1024xf32, #tpu.memory_space<hbm>>) target(%dma_start3A_46 : memref<8x1024xf32, #tpu.memory_space<vmem>>) offsets(%dma_start3A_48 : memref<8xi32, #tpu.memory_space<vmem>>) semaphore(%dma_start3A_53 : memref<!tpu.dma_semaphore, #tpu.memory_space<semaphore_mem>>)
    %dma_start3A_54 = arith.constant 4 : i32
    %dma_start3A_55 = arith.constant 4 : i32
    %dma_start3A_56 = arith.constant 0 : i32
    %dma_start3A_57 = arith.constant 0 : i32
    %dma_start3A_58 = tpu.memref_slice %arg6[%dma_start3A_54, %dma_start3A_56, %dma_start3A_57] : memref<8x8x1024xf32, #tpu.memory_space<vmem>> -> memref<1x8x1024xf32, #tpu.memory_space<vmem>>
    %dma_start3A_59 = tpu.memref_squeeze %dma_start3A_58 : memref<1x8x1024xf32, #tpu.memory_space<vmem>> -> memref<8x1024xf32, #tpu.memory_space<vmem>>
    %dma_start3A_60 = arith.constant 32 : i32
    %dma_start3A_61 = tpu.memref_slice %arg5[%dma_start3A_60] : memref<1024xi32, #tpu.memory_space<vmem>> -> memref<8xi32, #tpu.memory_space<vmem>>
    %dma_start3A_62 = arith.constant 0 : i32
    %dma_start3A_63 = arith.constant 0 : i32
    %dma_start3A_64 = tpu.memref_slice %arg3[%dma_start3A_62, %dma_start3A_63] : memref<8192x1024xf32, #tpu.memory_space<hbm>> -> memref<8192x1024xf32, #tpu.memory_space<hbm>>
    %dma_start3A_65 = tpu.memref_slice %arg7[%dma_start3A_55] : memref<8x!tpu.dma_semaphore, #tpu.memory_space<semaphore_mem>> -> memref<1x!tpu.dma_semaphore, #tpu.memory_space<semaphore_mem>>
    %dma_start3A_66 = tpu.memref_squeeze %dma_start3A_65 : memref<1x!tpu.dma_semaphore, #tpu.memory_space<semaphore_mem>> -> memref<!tpu.dma_semaphore, #tpu.memory_space<semaphore_mem>>
    tpu.enqueue_indirect_dma source(%dma_start3A_64 : memref<8192x1024xf32, #tpu.memory_space<hbm>>) target(%dma_start3A_59 : memref<8x1024xf32, #tpu.memory_space<vmem>>) offsets(%dma_start3A_61 : memref<8xi32, #tpu.memory_space<vmem>>) semaphore(%dma_start3A_66 : memref<!tpu.dma_semaphore, #tpu.memory_space<semaphore_mem>>)
    %dma_start3A_67 = arith.constant 5 : i32
    %dma_start3A_68 = arith.constant 5 : i32
    %dma_start3A_69 = arith.constant 0 : i32
    %dma_start3A_70 = arith.constant 0 : i32
    %dma_start3A_71 = tpu.memref_slice %arg6[%dma_start3A_67, %dma_start3A_69, %dma_start3A_70] : memref<8x8x1024xf32, #tpu.memory_space<vmem>> -> memref<1x8x1024xf32, #tpu.memory_space<vmem>>
    %dma_start3A_72 = tpu.memref_squeeze %dma_start3A_71 : memref<1x8x1024xf32, #tpu.memory_space<vmem>> -> memref<8x1024xf32, #tpu.memory_space<vmem>>
    %dma_start3A_73 = arith.constant 40 : i32
    %dma_start3A_74 = tpu.memref_slice %arg5[%dma_start3A_73] : memref<1024xi32, #tpu.memory_space<vmem>> -> memref<8xi32, #tpu.memory_space<vmem>>
    %dma_start3A_75 = arith.constant 0 : i32
    %dma_start3A_76 = arith.constant 0 : i32
    %dma_start3A_77 = tpu.memref_slice %arg3[%dma_start3A_75, %dma_start3A_76] : memref<8192x1024xf32, #tpu.memory_space<hbm>> -> memref<8192x1024xf32, #tpu.memory_space<hbm>>
    %dma_start3A_78 = tpu.memref_slice %arg7[%dma_start3A_68] : memref<8x!tpu.dma_semaphore, #tpu.memory_space<semaphore_mem>> -> memref<1x!tpu.dma_semaphore, #tpu.memory_space<semaphore_mem>>
    %dma_start3A_79 = tpu.memref_squeeze %dma_start3A_78 : memref<1x!tpu.dma_semaphore, #tpu.memory_space<semaphore_mem>> -> memref<!tpu.dma_semaphore, #tpu.memory_space<semaphore_mem>>
    tpu.enqueue_indirect_dma source(%dma_start3A_77 : memref<8192x1024xf32, #tpu.memory_space<hbm>>) target(%dma_start3A_72 : memref<8x1024xf32, #tpu.memory_space<vmem>>) offsets(%dma_start3A_74 : memref<8xi32, #tpu.memory_space<vmem>>) semaphore(%dma_start3A_79 : memref<!tpu.dma_semaphore, #tpu.memory_space<semaphore_mem>>)
    %dma_start3A_80 = arith.constant 6 : i32
    %dma_start3A_81 = arith.constant 6 : i32
    %dma_start3A_82 = arith.constant 0 : i32
    %dma_start3A_83 = arith.constant 0 : i32
    %dma_start3A_84 = tpu.memref_slice %arg6[%dma_start3A_80, %dma_start3A_82, %dma_start3A_83] : memref<8x8x1024xf32, #tpu.memory_space<vmem>> -> memref<1x8x1024xf32, #tpu.memory_space<vmem>>
    %dma_start3A_85 = tpu.memref_squeeze %dma_start3A_84 : memref<1x8x1024xf32, #tpu.memory_space<vmem>> -> memref<8x1024xf32, #tpu.memory_space<vmem>>
    %dma_start3A_86 = arith.constant 48 : i32
    %dma_start3A_87 = tpu.memref_slice %arg5[%dma_start3A_86] : memref<1024xi32, #tpu.memory_space<vmem>> -> memref<8xi32, #tpu.memory_space<vmem>>
    %dma_start3A_88 = arith.constant 0 : i32
    %dma_start3A_89 = arith.constant 0 : i32
    %dma_start3A_90 = tpu.memref_slice %arg3[%dma_start3A_88, %dma_start3A_89] : memref<8192x1024xf32, #tpu.memory_space<hbm>> -> memref<8192x1024xf32, #tpu.memory_space<hbm>>
    %dma_start3A_91 = tpu.memref_slice %arg7[%dma_start3A_81] : memref<8x!tpu.dma_semaphore, #tpu.memory_space<semaphore_mem>> -> memref<1x!tpu.dma_semaphore, #tpu.memory_space<semaphore_mem>>
    %dma_start3A_92 = tpu.memref_squeeze %dma_start3A_91 : memref<1x!tpu.dma_semaphore, #tpu.memory_space<semaphore_mem>> -> memref<!tpu.dma_semaphore, #tpu.memory_space<semaphore_mem>>
    tpu.enqueue_indirect_dma source(%dma_start3A_90 : memref<8192x1024xf32, #tpu.memory_space<hbm>>) target(%dma_start3A_85 : memref<8x1024xf32, #tpu.memory_space<vmem>>) offsets(%dma_start3A_87 : memref<8xi32, #tpu.memory_space<vmem>>) semaphore(%dma_start3A_92 : memref<!tpu.dma_semaphore, #tpu.memory_space<semaphore_mem>>)
    %scan3A = arith.constant 0 : i32
    %scan3A_93 = arith.constant 0 : i32
    %scan3A_94 = arith.constant 16 : i32
    %scan3A_95 = arith.addi %scan3A_93, %scan3A_94 : i32
    %scan3A_96 = arith.constant 1 : i32
    scf.for %scan3A_241 = %scan3A_93 to %scan3A_95 step %scan3A_96  : i32 {
      %mul3A_242 = arith.constant 8 : i32
      %mul3A_243 = arith.muli %scan3A_241, %mul3A_242 : i32
      %add3A_244 = arith.constant 0 : i32
      %add3A_245 = arith.addi %mul3A_243, %add3A_244 : i32
      %mul3A_246 = arith.constant 8 : i32
      %mul3A_247 = arith.muli %add3A_245, %mul3A_246 : i32
      %dma_wait3A_248 = arith.constant 0 : i32
      %dma_wait3A_249 = arith.constant 0 : i32
      %dma_wait3A_250 = arith.constant 0 : i32
      %dma_wait3A_251 = arith.constant 0 : i32
      %dma_wait3A_252 = tpu.memref_slice %arg6[%dma_wait3A_248, %dma_wait3A_250, %dma_wait3A_251] : memref<8x8x1024xf32, #tpu.memory_space<vmem>> -> memref<1x8x1024xf32, #tpu.memory_space<vmem>>
      %dma_wait3A_253 = tpu.memref_squeeze %dma_wait3A_252 : memref<1x8x1024xf32, #tpu.memory_space<vmem>> -> memref<8x1024xf32, #tpu.memory_space<vmem>>
      %dma_wait3A_254 = tpu.memref_slice %arg5[%mul3A_247] : memref<1024xi32, #tpu.memory_space<vmem>> -> memref<8xi32, #tpu.memory_space<vmem>>
      %dma_wait3A_255 = arith.constant 0 : i32
      %dma_wait3A_256 = arith.constant 0 : i32
      %dma_wait3A_257 = tpu.memref_slice %arg3[%dma_wait3A_255, %dma_wait3A_256] : memref<8192x1024xf32, #tpu.memory_space<hbm>> -> memref<8192x1024xf32, #tpu.memory_space<hbm>>
      %dma_wait3A_258 = tpu.memref_slice %arg7[%dma_wait3A_249] : memref<8x!tpu.dma_semaphore, #tpu.memory_space<semaphore_mem>> -> memref<1x!tpu.dma_semaphore, #tpu.memory_space<semaphore_mem>>
      %dma_wait3A_259 = tpu.memref_squeeze %dma_wait3A_258 : memref<1x!tpu.dma_semaphore, #tpu.memory_space<semaphore_mem>> -> memref<!tpu.dma_semaphore, #tpu.memory_space<semaphore_mem>>
      tpu.wait_indirect_dma semaphore(%dma_wait3A_259 : memref<!tpu.dma_semaphore, #tpu.memory_space<semaphore_mem>>) src(%dma_wait3A_257 : memref<8192x1024xf32, #tpu.memory_space<hbm>>) dst(%dma_wait3A_253 : memref<8x1024xf32, #tpu.memory_space<vmem>>)
      %mul3A_260 = arith.constant 8 : i32
      %mul3A_261 = arith.muli %add3A_245, %mul3A_260 : i32
      %add3A_262 = arith.addi %mul3A_2, %mul3A_261 : i32
      %dma_start3A_263 = arith.constant 0 : i32
      %dma_start3A_264 = arith.constant 0 : i32
      %dma_start3A_265 = arith.constant 0 : i32
      %dma_start3A_266 = arith.constant 0 : i32
      %dma_start3A_267 = tpu.memref_slice %arg6[%dma_start3A_263, %dma_start3A_265, %dma_start3A_266] : memref<8x8x1024xf32, #tpu.memory_space<vmem>> -> memref<1x8x1024xf32, #tpu.memory_space<vmem>>
      %dma_start3A_268 = tpu.memref_squeeze %dma_start3A_267 : memref<1x8x1024xf32, #tpu.memory_space<vmem>> -> memref<8x1024xf32, #tpu.memory_space<vmem>>
      %dma_start3A_269 = arith.constant 0 : i32
      %dma_start3A_270 = tpu.memref_slice %arg4[%add3A_262, %dma_start3A_269] : memref<32768x1024xf32, #tpu.memory_space<hbm>> -> memref<8x1024xf32, #tpu.memory_space<hbm>>
      %dma_start3A_271 = tpu.memref_slice %arg8[%dma_start3A_264] : memref<8x!tpu.dma_semaphore, #tpu.memory_space<semaphore_mem>> -> memref<1x!tpu.dma_semaphore, #tpu.memory_space<semaphore_mem>>
      %dma_start3A_272 = tpu.memref_squeeze %dma_start3A_271 : memref<1x!tpu.dma_semaphore, #tpu.memory_space<semaphore_mem>> -> memref<!tpu.dma_semaphore, #tpu.memory_space<semaphore_mem>>
      %dma_start3A_273 = arith.constant 0 : i32
      %dma_start3A_274 = tpu.memref_slice %arg4[%add3A_262, %dma_start3A_273] : memref<32768x1024xf32, #tpu.memory_space<hbm>> -> memref<8x1024xf32, #tpu.memory_space<hbm>>
      %dma_start3A_275 = arith.constant 0 : i32
      %dma_start3A_276 = arith.constant 0 : i32
      %dma_start3A_277 = tpu.memref_slice %arg6[%dma_start3A_263, %dma_start3A_275, %dma_start3A_276] : memref<8x8x1024xf32, #tpu.memory_space<vmem>> -> memref<1x8x1024xf32, #tpu.memory_space<vmem>>
      %dma_start3A_278 = tpu.memref_squeeze %dma_start3A_277 : memref<1x8x1024xf32, #tpu.memory_space<vmem>> -> memref<8x1024xf32, #tpu.memory_space<vmem>>
      tpu.enqueue_dma source(%dma_start3A_278 : memref<8x1024xf32, #tpu.memory_space<vmem>>) target(%dma_start3A_274 : memref<8x1024xf32, #tpu.memory_space<hbm>>) target_semaphore(%dma_start3A_272 : memref<!tpu.dma_semaphore, #tpu.memory_space<semaphore_mem>>)
      %add3A_279 = arith.constant 8 : i32
      %add3A_280 = arith.addi %add3A_245, %add3A_279 : i32
      %sub3A = arith.constant 1 : i32
      %sub3A_281 = arith.subi %add3A_280, %sub3A : i32
      %lt3A = arith.constant 128 : i32
      %lt3A_282 = arith.cmpi slt, %sub3A_281, %lt3A : i32
      %convert_element_type3A = arith.extui %lt3A_282 : i1 to i32
      %cond3A = arith.constant 0 : i32
      %cond3A_283 = arith.cmpi ne, %convert_element_type3A, %cond3A : i32
      scf.if %cond3A_283 {
        %ge3A = arith.constant 8 : i32
        %ge3A_606 = arith.cmpi sge, %sub3A_281, %ge3A : i32
        %convert_element_type3A_607 = arith.extui %ge3A_606 : i1 to i32
        %cond3A_608 = arith.constant 0 : i32
        %cond3A_609 = arith.cmpi ne, %convert_element_type3A_607, %cond3A_608 : i32
        scf.if %cond3A_609 {
          %sub3A_624 = arith.constant 8 : i32
          %sub3A_625 = arith.subi %sub3A_281, %sub3A_624 : i32
          %mul3A_626 = arith.constant 8 : i32
          %mul3A_627 = arith.muli %sub3A_625, %mul3A_626 : i32
          %add3A_628 = arith.addi %mul3A_2, %mul3A_627 : i32
          %dma_wait3A_629 = arith.constant 7 : i32
          %dma_wait3A_630 = arith.constant 7 : i32
          %dma_wait3A_631 = arith.constant 0 : i32
          %dma_wait3A_632 = arith.constant 0 : i32
          %dma_wait3A_633 = tpu.memref_slice %arg6[%dma_wait3A_629, %dma_wait3A_631, %dma_wait3A_632] : memref<8x8x1024xf32, #tpu.memory_space<vmem>> -> memref<1x8x1024xf32, #tpu.memory_space<vmem>>
          %dma_wait3A_634 = tpu.memref_squeeze %dma_wait3A_633 : memref<1x8x1024xf32, #tpu.memory_space<vmem>> -> memref<8x1024xf32, #tpu.memory_space<vmem>>
          %dma_wait3A_635 = arith.constant 0 : i32
          %dma_wait3A_636 = tpu.memref_slice %arg4[%add3A_628, %dma_wait3A_635] : memref<32768x1024xf32, #tpu.memory_space<hbm>> -> memref<8x1024xf32, #tpu.memory_space<hbm>>
          %dma_wait3A_637 = tpu.memref_slice %arg8[%dma_wait3A_630] : memref<8x!tpu.dma_semaphore, #tpu.memory_space<semaphore_mem>> -> memref<1x!tpu.dma_semaphore, #tpu.memory_space<semaphore_mem>>
          %dma_wait3A_638 = tpu.memref_squeeze %dma_wait3A_637 : memref<1x!tpu.dma_semaphore, #tpu.memory_space<semaphore_mem>> -> memref<!tpu.dma_semaphore, #tpu.memory_space<semaphore_mem>>
          %dma_wait3A_639 = arith.constant 0 : i32
          %dma_wait3A_640 = tpu.memref_slice %arg4[%add3A_628, %dma_wait3A_639] : memref<32768x1024xf32, #tpu.memory_space<hbm>> -> memref<8x1024xf32, #tpu.memory_space<hbm>>
          %dma_wait3A_641 = arith.constant 0 : i32
          %dma_wait3A_642 = arith.constant 0 : i32
          %dma_wait3A_643 = tpu.memref_slice %arg6[%dma_wait3A_629, %dma_wait3A_641, %dma_wait3A_642] : memref<8x8x1024xf32, #tpu.memory_space<vmem>> -> memref<1x8x1024xf32, #tpu.memory_space<vmem>>
          %dma_wait3A_644 = tpu.memref_squeeze %dma_wait3A_643 : memref<1x8x1024xf32, #tpu.memory_space<vmem>> -> memref<8x1024xf32, #tpu.memory_space<vmem>>
          tpu.wait_dma2 semaphore(%dma_wait3A_638 : memref<!tpu.dma_semaphore, #tpu.memory_space<semaphore_mem>>) src(%dma_wait3A_644 : memref<8x1024xf32, #tpu.memory_space<vmem>>) dst(%dma_wait3A_640 : memref<8x1024xf32, #tpu.memory_space<hbm>>)
        } else {
        }
        %mul3A_610 = arith.constant 8 : i32
        %mul3A_611 = arith.muli %sub3A_281, %mul3A_610 : i32
        %dma_start3A_612 = arith.constant 7 : i32
        %dma_start3A_613 = arith.constant 7 : i32
        %dma_start3A_614 = arith.constant 0 : i32
        %dma_start3A_615 = arith.constant 0 : i32
        %dma_start3A_616 = tpu.memref_slice %arg6[%dma_start3A_612, %dma_start3A_614, %dma_start3A_615] : memref<8x8x1024xf32, #tpu.memory_space<vmem>> -> memref<1x8x1024xf32, #tpu.memory_space<vmem>>
        %dma_start3A_617 = tpu.memref_squeeze %dma_start3A_616 : memref<1x8x1024xf32, #tpu.memory_space<vmem>> -> memref<8x1024xf32, #tpu.memory_space<vmem>>
        %dma_start3A_618 = tpu.memref_slice %arg5[%mul3A_611] : memref<1024xi32, #tpu.memory_space<vmem>> -> memref<8xi32, #tpu.memory_space<vmem>>
        %dma_start3A_619 = arith.constant 0 : i32
        %dma_start3A_620 = arith.constant 0 : i32
        %dma_start3A_621 = tpu.memref_slice %arg3[%dma_start3A_619, %dma_start3A_620] : memref<8192x1024xf32, #tpu.memory_space<hbm>> -> memref<8192x1024xf32, #tpu.memory_space<hbm>>
        %dma_start3A_622 = tpu.memref_slice %arg7[%dma_start3A_613] : memref<8x!tpu.dma_semaphore, #tpu.memory_space<semaphore_mem>> -> memref<1x!tpu.dma_semaphore, #tpu.memory_space<semaphore_mem>>
        %dma_start3A_623 = tpu.memref_squeeze %dma_start3A_622 : memref<1x!tpu.dma_semaphore, #tpu.memory_space<semaphore_mem>> -> memref<!tpu.dma_semaphore, #tpu.memory_space<semaphore_mem>>
        tpu.enqueue_indirect_dma source(%dma_start3A_621 : memref<8192x1024xf32, #tpu.memory_space<hbm>>) target(%dma_start3A_617 : memref<8x1024xf32, #tpu.memory_space<vmem>>) offsets(%dma_start3A_618 : memref<8xi32, #tpu.memory_space<vmem>>) semaphore(%dma_start3A_623 : memref<!tpu.dma_semaphore, #tpu.memory_space<semaphore_mem>>)
      } else {
      }
      %mul3A_284 = arith.constant 8 : i32
      %mul3A_285 = arith.muli %scan3A_241, %mul3A_284 : i32
      %add3A_286 = arith.constant 1 : i32
      %add3A_287 = arith.addi %mul3A_285, %add3A_286 : i32
      %mul3A_288 = arith.constant 8 : i32
      %mul3A_289 = arith.muli %add3A_287, %mul3A_288 : i32
      %dma_wait3A_290 = arith.constant 1 : i32
      %dma_wait3A_291 = arith.constant 1 : i32
      %dma_wait3A_292 = arith.constant 0 : i32
      %dma_wait3A_293 = arith.constant 0 : i32
      %dma_wait3A_294 = tpu.memref_slice %arg6[%dma_wait3A_290, %dma_wait3A_292, %dma_wait3A_293] : memref<8x8x1024xf32, #tpu.memory_space<vmem>> -> memref<1x8x1024xf32, #tpu.memory_space<vmem>>
      %dma_wait3A_295 = tpu.memref_squeeze %dma_wait3A_294 : memref<1x8x1024xf32, #tpu.memory_space<vmem>> -> memref<8x1024xf32, #tpu.memory_space<vmem>>
      %dma_wait3A_296 = tpu.memref_slice %arg5[%mul3A_289] : memref<1024xi32, #tpu.memory_space<vmem>> -> memref<8xi32, #tpu.memory_space<vmem>>
      %dma_wait3A_297 = arith.constant 0 : i32
      %dma_wait3A_298 = arith.constant 0 : i32
      %dma_wait3A_299 = tpu.memref_slice %arg3[%dma_wait3A_297, %dma_wait3A_298] : memref<8192x1024xf32, #tpu.memory_space<hbm>> -> memref<8192x1024xf32, #tpu.memory_space<hbm>>
      %dma_wait3A_300 = tpu.memref_slice %arg7[%dma_wait3A_291] : memref<8x!tpu.dma_semaphore, #tpu.memory_space<semaphore_mem>> -> memref<1x!tpu.dma_semaphore, #tpu.memory_space<semaphore_mem>>
      %dma_wait3A_301 = tpu.memref_squeeze %dma_wait3A_300 : memref<1x!tpu.dma_semaphore, #tpu.memory_space<semaphore_mem>> -> memref<!tpu.dma_semaphore, #tpu.memory_space<semaphore_mem>>
      tpu.wait_indirect_dma semaphore(%dma_wait3A_301 : memref<!tpu.dma_semaphore, #tpu.memory_space<semaphore_mem>>) src(%dma_wait3A_299 : memref<8192x1024xf32, #tpu.memory_space<hbm>>) dst(%dma_wait3A_295 : memref<8x1024xf32, #tpu.memory_space<vmem>>)
      %mul3A_302 = arith.constant 8 : i32
      %mul3A_303 = arith.muli %add3A_287, %mul3A_302 : i32
      %add3A_304 = arith.addi %mul3A_2, %mul3A_303 : i32
      %dma_start3A_305 = arith.constant 1 : i32
      %dma_start3A_306 = arith.constant 1 : i32
      %dma_start3A_307 = arith.constant 0 : i32
      %dma_start3A_308 = arith.constant 0 : i32
      %dma_start3A_309 = tpu.memref_slice %arg6[%dma_start3A_305, %dma_start3A_307, %dma_start3A_308] : memref<8x8x1024xf32, #tpu.memory_space<vmem>> -> memref<1x8x1024xf32, #tpu.memory_space<vmem>>
      %dma_start3A_310 = tpu.memref_squeeze %dma_start3A_309 : memref<1x8x1024xf32, #tpu.memory_space<vmem>> -> memref<8x1024xf32, #tpu.memory_space<vmem>>
      %dma_start3A_311 = arith.constant 0 : i32
      %dma_start3A_312 = tpu.memref_slice %arg4[%add3A_304, %dma_start3A_311] : memref<32768x1024xf32, #tpu.memory_space<hbm>> -> memref<8x1024xf32, #tpu.memory_space<hbm>>
      %dma_start3A_313 = tpu.memref_slice %arg8[%dma_start3A_306] : memref<8x!tpu.dma_semaphore, #tpu.memory_space<semaphore_mem>> -> memref<1x!tpu.dma_semaphore, #tpu.memory_space<semaphore_mem>>
      %dma_start3A_314 = tpu.memref_squeeze %dma_start3A_313 : memref<1x!tpu.dma_semaphore, #tpu.memory_space<semaphore_mem>> -> memref<!tpu.dma_semaphore, #tpu.memory_space<semaphore_mem>>
      %dma_start3A_315 = arith.constant 0 : i32
      %dma_start3A_316 = tpu.memref_slice %arg4[%add3A_304, %dma_start3A_315] : memref<32768x1024xf32, #tpu.memory_space<hbm>> -> memref<8x1024xf32, #tpu.memory_space<hbm>>
      %dma_start3A_317 = arith.constant 0 : i32
      %dma_start3A_318 = arith.constant 0 : i32
      %dma_start3A_319 = tpu.memref_slice %arg6[%dma_start3A_305, %dma_start3A_317, %dma_start3A_318] : memref<8x8x1024xf32, #tpu.memory_space<vmem>> -> memref<1x8x1024xf32, #tpu.memory_space<vmem>>
      %dma_start3A_320 = tpu.memref_squeeze %dma_start3A_319 : memref<1x8x1024xf32, #tpu.memory_space<vmem>> -> memref<8x1024xf32, #tpu.memory_space<vmem>>
      tpu.enqueue_dma source(%dma_start3A_320 : memref<8x1024xf32, #tpu.memory_space<vmem>>) target(%dma_start3A_316 : memref<8x1024xf32, #tpu.memory_space<hbm>>) target_semaphore(%dma_start3A_314 : memref<!tpu.dma_semaphore, #tpu.memory_space<semaphore_mem>>)
      %add3A_321 = arith.constant 8 : i32
      %add3A_322 = arith.addi %add3A_287, %add3A_321 : i32
      %sub3A_323 = arith.constant 1 : i32
      %sub3A_324 = arith.subi %add3A_322, %sub3A_323 : i32
      %lt3A_325 = arith.constant 128 : i32
      %lt3A_326 = arith.cmpi slt, %sub3A_324, %lt3A_325 : i32
      %convert_element_type3A_327 = arith.extui %lt3A_326 : i1 to i32
      %cond3A_328 = arith.constant 0 : i32
      %cond3A_329 = arith.cmpi ne, %convert_element_type3A_327, %cond3A_328 : i32
      scf.if %cond3A_329 {
        %ge3A = arith.constant 8 : i32
        %ge3A_606 = arith.cmpi sge, %sub3A_324, %ge3A : i32
        %convert_element_type3A_607 = arith.extui %ge3A_606 : i1 to i32
        %cond3A_608 = arith.constant 0 : i32
        %cond3A_609 = arith.cmpi ne, %convert_element_type3A_607, %cond3A_608 : i32
        scf.if %cond3A_609 {
          %sub3A_624 = arith.constant 8 : i32
          %sub3A_625 = arith.subi %sub3A_324, %sub3A_624 : i32
          %mul3A_626 = arith.constant 8 : i32
          %mul3A_627 = arith.muli %sub3A_625, %mul3A_626 : i32
          %add3A_628 = arith.addi %mul3A_2, %mul3A_627 : i32
          %dma_wait3A_629 = arith.constant 0 : i32
          %dma_wait3A_630 = arith.constant 0 : i32
          %dma_wait3A_631 = arith.constant 0 : i32
          %dma_wait3A_632 = arith.constant 0 : i32
          %dma_wait3A_633 = tpu.memref_slice %arg6[%dma_wait3A_629, %dma_wait3A_631, %dma_wait3A_632] : memref<8x8x1024xf32, #tpu.memory_space<vmem>> -> memref<1x8x1024xf32, #tpu.memory_space<vmem>>
          %dma_wait3A_634 = tpu.memref_squeeze %dma_wait3A_633 : memref<1x8x1024xf32, #tpu.memory_space<vmem>> -> memref<8x1024xf32, #tpu.memory_space<vmem>>
          %dma_wait3A_635 = arith.constant 0 : i32
          %dma_wait3A_636 = tpu.memref_slice %arg4[%add3A_628, %dma_wait3A_635] : memref<32768x1024xf32, #tpu.memory_space<hbm>> -> memref<8x1024xf32, #tpu.memory_space<hbm>>
          %dma_wait3A_637 = tpu.memref_slice %arg8[%dma_wait3A_630] : memref<8x!tpu.dma_semaphore, #tpu.memory_space<semaphore_mem>> -> memref<1x!tpu.dma_semaphore, #tpu.memory_space<semaphore_mem>>
          %dma_wait3A_638 = tpu.memref_squeeze %dma_wait3A_637 : memref<1x!tpu.dma_semaphore, #tpu.memory_space<semaphore_mem>> -> memref<!tpu.dma_semaphore, #tpu.memory_space<semaphore_mem>>
          %dma_wait3A_639 = arith.constant 0 : i32
          %dma_wait3A_640 = tpu.memref_slice %arg4[%add3A_628, %dma_wait3A_639] : memref<32768x1024xf32, #tpu.memory_space<hbm>> -> memref<8x1024xf32, #tpu.memory_space<hbm>>
          %dma_wait3A_641 = arith.constant 0 : i32
          %dma_wait3A_642 = arith.constant 0 : i32
          %dma_wait3A_643 = tpu.memref_slice %arg6[%dma_wait3A_629, %dma_wait3A_641, %dma_wait3A_642] : memref<8x8x1024xf32, #tpu.memory_space<vmem>> -> memref<1x8x1024xf32, #tpu.memory_space<vmem>>
          %dma_wait3A_644 = tpu.memref_squeeze %dma_wait3A_643 : memref<1x8x1024xf32, #tpu.memory_space<vmem>> -> memref<8x1024xf32, #tpu.memory_space<vmem>>
          tpu.wait_dma2 semaphore(%dma_wait3A_638 : memref<!tpu.dma_semaphore, #tpu.memory_space<semaphore_mem>>) src(%dma_wait3A_644 : memref<8x1024xf32, #tpu.memory_space<vmem>>) dst(%dma_wait3A_640 : memref<8x1024xf32, #tpu.memory_space<hbm>>)
        } else {
        }
        %mul3A_610 = arith.constant 8 : i32
        %mul3A_611 = arith.muli %sub3A_324, %mul3A_610 : i32
        %dma_start3A_612 = arith.constant 0 : i32
        %dma_start3A_613 = arith.constant 0 : i32
        %dma_start3A_614 = arith.constant 0 : i32
        %dma_start3A_615 = arith.constant 0 : i32
        %dma_start3A_616 = tpu.memref_slice %arg6[%dma_start3A_612, %dma_start3A_614, %dma_start3A_615] : memref<8x8x1024xf32, #tpu.memory_space<vmem>> -> memref<1x8x1024xf32, #tpu.memory_space<vmem>>
        %dma_start3A_617 = tpu.memref_squeeze %dma_start3A_616 : memref<1x8x1024xf32, #tpu.memory_space<vmem>> -> memref<8x1024xf32, #tpu.memory_space<vmem>>
        %dma_start3A_618 = tpu.memref_slice %arg5[%mul3A_611] : memref<1024xi32, #tpu.memory_space<vmem>> -> memref<8xi32, #tpu.memory_space<vmem>>
        %dma_start3A_619 = arith.constant 0 : i32
        %dma_start3A_620 = arith.constant 0 : i32
        %dma_start3A_621 = tpu.memref_slice %arg3[%dma_start3A_619, %dma_start3A_620] : memref<8192x1024xf32, #tpu.memory_space<hbm>> -> memref<8192x1024xf32, #tpu.memory_space<hbm>>
        %dma_start3A_622 = tpu.memref_slice %arg7[%dma_start3A_613] : memref<8x!tpu.dma_semaphore, #tpu.memory_space<semaphore_mem>> -> memref<1x!tpu.dma_semaphore, #tpu.memory_space<semaphore_mem>>
        %dma_start3A_623 = tpu.memref_squeeze %dma_start3A_622 : memref<1x!tpu.dma_semaphore, #tpu.memory_space<semaphore_mem>> -> memref<!tpu.dma_semaphore, #tpu.memory_space<semaphore_mem>>
        tpu.enqueue_indirect_dma source(%dma_start3A_621 : memref<8192x1024xf32, #tpu.memory_space<hbm>>) target(%dma_start3A_617 : memref<8x1024xf32, #tpu.memory_space<vmem>>) offsets(%dma_start3A_618 : memref<8xi32, #tpu.memory_space<vmem>>) semaphore(%dma_start3A_623 : memref<!tpu.dma_semaphore, #tpu.memory_space<semaphore_mem>>)
      } else {
      }
      %mul3A_330 = arith.constant 8 : i32
      %mul3A_331 = arith.muli %scan3A_241, %mul3A_330 : i32
      %add3A_332 = arith.constant 2 : i32
      %add3A_333 = arith.addi %mul3A_331, %add3A_332 : i32
      %mul3A_334 = arith.constant 8 : i32
      %mul3A_335 = arith.muli %add3A_333, %mul3A_334 : i32
      %dma_wait3A_336 = arith.constant 2 : i32
      %dma_wait3A_337 = arith.constant 2 : i32
      %dma_wait3A_338 = arith.constant 0 : i32
      %dma_wait3A_339 = arith.constant 0 : i32
      %dma_wait3A_340 = tpu.memref_slice %arg6[%dma_wait3A_336, %dma_wait3A_338, %dma_wait3A_339] : memref<8x8x1024xf32, #tpu.memory_space<vmem>> -> memref<1x8x1024xf32, #tpu.memory_space<vmem>>
      %dma_wait3A_341 = tpu.memref_squeeze %dma_wait3A_340 : memref<1x8x1024xf32, #tpu.memory_space<vmem>> -> memref<8x1024xf32, #tpu.memory_space<vmem>>
      %dma_wait3A_342 = tpu.memref_slice %arg5[%mul3A_335] : memref<1024xi32, #tpu.memory_space<vmem>> -> memref<8xi32, #tpu.memory_space<vmem>>
      %dma_wait3A_343 = arith.constant 0 : i32
      %dma_wait3A_344 = arith.constant 0 : i32
      %dma_wait3A_345 = tpu.memref_slice %arg3[%dma_wait3A_343, %dma_wait3A_344] : memref<8192x1024xf32, #tpu.memory_space<hbm>> -> memref<8192x1024xf32, #tpu.memory_space<hbm>>
      %dma_wait3A_346 = tpu.memref_slice %arg7[%dma_wait3A_337] : memref<8x!tpu.dma_semaphore, #tpu.memory_space<semaphore_mem>> -> memref<1x!tpu.dma_semaphore, #tpu.memory_space<semaphore_mem>>
      %dma_wait3A_347 = tpu.memref_squeeze %dma_wait3A_346 : memref<1x!tpu.dma_semaphore, #tpu.memory_space<semaphore_mem>> -> memref<!tpu.dma_semaphore, #tpu.memory_space<semaphore_mem>>
      tpu.wait_indirect_dma semaphore(%dma_wait3A_347 : memref<!tpu.dma_semaphore, #tpu.memory_space<semaphore_mem>>) src(%dma_wait3A_345 : memref<8192x1024xf32, #tpu.memory_space<hbm>>) dst(%dma_wait3A_341 : memref<8x1024xf32, #tpu.memory_space<vmem>>)
      %mul3A_348 = arith.constant 8 : i32
      %mul3A_349 = arith.muli %add3A_333, %mul3A_348 : i32
      %add3A_350 = arith.addi %mul3A_2, %mul3A_349 : i32
      %dma_start3A_351 = arith.constant 2 : i32
      %dma_start3A_352 = arith.constant 2 : i32
      %dma_start3A_353 = arith.constant 0 : i32
      %dma_start3A_354 = arith.constant 0 : i32
      %dma_start3A_355 = tpu.memref_slice %arg6[%dma_start3A_351, %dma_start3A_353, %dma_start3A_354] : memref<8x8x1024xf32, #tpu.memory_space<vmem>> -> memref<1x8x1024xf32, #tpu.memory_space<vmem>>
      %dma_start3A_356 = tpu.memref_squeeze %dma_start3A_355 : memref<1x8x1024xf32, #tpu.memory_space<vmem>> -> memref<8x1024xf32, #tpu.memory_space<vmem>>
      %dma_start3A_357 = arith.constant 0 : i32
      %dma_start3A_358 = tpu.memref_slice %arg4[%add3A_350, %dma_start3A_357] : memref<32768x1024xf32, #tpu.memory_space<hbm>> -> memref<8x1024xf32, #tpu.memory_space<hbm>>
      %dma_start3A_359 = tpu.memref_slice %arg8[%dma_start3A_352] : memref<8x!tpu.dma_semaphore, #tpu.memory_space<semaphore_mem>> -> memref<1x!tpu.dma_semaphore, #tpu.memory_space<semaphore_mem>>
      %dma_start3A_360 = tpu.memref_squeeze %dma_start3A_359 : memref<1x!tpu.dma_semaphore, #tpu.memory_space<semaphore_mem>> -> memref<!tpu.dma_semaphore, #tpu.memory_space<semaphore_mem>>
      %dma_start3A_361 = arith.constant 0 : i32
      %dma_start3A_362 = tpu.memref_slice %arg4[%add3A_350, %dma_start3A_361] : memref<32768x1024xf32, #tpu.memory_space<hbm>> -> memref<8x1024xf32, #tpu.memory_space<hbm>>
      %dma_start3A_363 = arith.constant 0 : i32
      %dma_start3A_364 = arith.constant 0 : i32
      %dma_start3A_365 = tpu.memref_slice %arg6[%dma_start3A_351, %dma_start3A_363, %dma_start3A_364] : memref<8x8x1024xf32, #tpu.memory_space<vmem>> -> memref<1x8x1024xf32, #tpu.memory_space<vmem>>
      %dma_start3A_366 = tpu.memref_squeeze %dma_start3A_365 : memref<1x8x1024xf32, #tpu.memory_space<vmem>> -> memref<8x1024xf32, #tpu.memory_space<vmem>>
      tpu.enqueue_dma source(%dma_start3A_366 : memref<8x1024xf32, #tpu.memory_space<vmem>>) target(%dma_start3A_362 : memref<8x1024xf32, #tpu.memory_space<hbm>>) target_semaphore(%dma_start3A_360 : memref<!tpu.dma_semaphore, #tpu.memory_space<semaphore_mem>>)
      %add3A_367 = arith.constant 8 : i32
      %add3A_368 = arith.addi %add3A_333, %add3A_367 : i32
      %sub3A_369 = arith.constant 1 : i32
      %sub3A_370 = arith.subi %add3A_368, %sub3A_369 : i32
      %lt3A_371 = arith.constant 128 : i32
      %lt3A_372 = arith.cmpi slt, %sub3A_370, %lt3A_371 : i32
      %convert_element_type3A_373 = arith.extui %lt3A_372 : i1 to i32
      %cond3A_374 = arith.constant 0 : i32
      %cond3A_375 = arith.cmpi ne, %convert_element_type3A_373, %cond3A_374 : i32
      scf.if %cond3A_375 {
        %ge3A = arith.constant 8 : i32
        %ge3A_606 = arith.cmpi sge, %sub3A_370, %ge3A : i32
        %convert_element_type3A_607 = arith.extui %ge3A_606 : i1 to i32
        %cond3A_608 = arith.constant 0 : i32
        %cond3A_609 = arith.cmpi ne, %convert_element_type3A_607, %cond3A_608 : i32
        scf.if %cond3A_609 {
          %sub3A_624 = arith.constant 8 : i32
          %sub3A_625 = arith.subi %sub3A_370, %sub3A_624 : i32
          %mul3A_626 = arith.constant 8 : i32
          %mul3A_627 = arith.muli %sub3A_625, %mul3A_626 : i32
          %add3A_628 = arith.addi %mul3A_2, %mul3A_627 : i32
          %dma_wait3A_629 = arith.constant 1 : i32
          %dma_wait3A_630 = arith.constant 1 : i32
          %dma_wait3A_631 = arith.constant 0 : i32
          %dma_wait3A_632 = arith.constant 0 : i32
          %dma_wait3A_633 = tpu.memref_slice %arg6[%dma_wait3A_629, %dma_wait3A_631, %dma_wait3A_632] : memref<8x8x1024xf32, #tpu.memory_space<vmem>> -> memref<1x8x1024xf32, #tpu.memory_space<vmem>>
          %dma_wait3A_634 = tpu.memref_squeeze %dma_wait3A_633 : memref<1x8x1024xf32, #tpu.memory_space<vmem>> -> memref<8x1024xf32, #tpu.memory_space<vmem>>
          %dma_wait3A_635 = arith.constant 0 : i32
          %dma_wait3A_636 = tpu.memref_slice %arg4[%add3A_628, %dma_wait3A_635] : memref<32768x1024xf32, #tpu.memory_space<hbm>> -> memref<8x1024xf32, #tpu.memory_space<hbm>>
          %dma_wait3A_637 = tpu.memref_slice %arg8[%dma_wait3A_630] : memref<8x!tpu.dma_semaphore, #tpu.memory_space<semaphore_mem>> -> memref<1x!tpu.dma_semaphore, #tpu.memory_space<semaphore_mem>>
          %dma_wait3A_638 = tpu.memref_squeeze %dma_wait3A_637 : memref<1x!tpu.dma_semaphore, #tpu.memory_space<semaphore_mem>> -> memref<!tpu.dma_semaphore, #tpu.memory_space<semaphore_mem>>
          %dma_wait3A_639 = arith.constant 0 : i32
          %dma_wait3A_640 = tpu.memref_slice %arg4[%add3A_628, %dma_wait3A_639] : memref<32768x1024xf32, #tpu.memory_space<hbm>> -> memref<8x1024xf32, #tpu.memory_space<hbm>>
          %dma_wait3A_641 = arith.constant 0 : i32
          %dma_wait3A_642 = arith.constant 0 : i32
          %dma_wait3A_643 = tpu.memref_slice %arg6[%dma_wait3A_629, %dma_wait3A_641, %dma_wait3A_642] : memref<8x8x1024xf32, #tpu.memory_space<vmem>> -> memref<1x8x1024xf32, #tpu.memory_space<vmem>>
          %dma_wait3A_644 = tpu.memref_squeeze %dma_wait3A_643 : memref<1x8x1024xf32, #tpu.memory_space<vmem>> -> memref<8x1024xf32, #tpu.memory_space<vmem>>
          tpu.wait_dma2 semaphore(%dma_wait3A_638 : memref<!tpu.dma_semaphore, #tpu.memory_space<semaphore_mem>>) src(%dma_wait3A_644 : memref<8x1024xf32, #tpu.memory_space<vmem>>) dst(%dma_wait3A_640 : memref<8x1024xf32, #tpu.memory_space<hbm>>)
        } else {
        }
        %mul3A_610 = arith.constant 8 : i32
        %mul3A_611 = arith.muli %sub3A_370, %mul3A_610 : i32
        %dma_start3A_612 = arith.constant 1 : i32
        %dma_start3A_613 = arith.constant 1 : i32
        %dma_start3A_614 = arith.constant 0 : i32
        %dma_start3A_615 = arith.constant 0 : i32
        %dma_start3A_616 = tpu.memref_slice %arg6[%dma_start3A_612, %dma_start3A_614, %dma_start3A_615] : memref<8x8x1024xf32, #tpu.memory_space<vmem>> -> memref<1x8x1024xf32, #tpu.memory_space<vmem>>
        %dma_start3A_617 = tpu.memref_squeeze %dma_start3A_616 : memref<1x8x1024xf32, #tpu.memory_space<vmem>> -> memref<8x1024xf32, #tpu.memory_space<vmem>>
        %dma_start3A_618 = tpu.memref_slice %arg5[%mul3A_611] : memref<1024xi32, #tpu.memory_space<vmem>> -> memref<8xi32, #tpu.memory_space<vmem>>
        %dma_start3A_619 = arith.constant 0 : i32
        %dma_start3A_620 = arith.constant 0 : i32
        %dma_start3A_621 = tpu.memref_slice %arg3[%dma_start3A_619, %dma_start3A_620] : memref<8192x1024xf32, #tpu.memory_space<hbm>> -> memref<8192x1024xf32, #tpu.memory_space<hbm>>
        %dma_start3A_622 = tpu.memref_slice %arg7[%dma_start3A_613] : memref<8x!tpu.dma_semaphore, #tpu.memory_space<semaphore_mem>> -> memref<1x!tpu.dma_semaphore, #tpu.memory_space<semaphore_mem>>
        %dma_start3A_623 = tpu.memref_squeeze %dma_start3A_622 : memref<1x!tpu.dma_semaphore, #tpu.memory_space<semaphore_mem>> -> memref<!tpu.dma_semaphore, #tpu.memory_space<semaphore_mem>>
        tpu.enqueue_indirect_dma source(%dma_start3A_621 : memref<8192x1024xf32, #tpu.memory_space<hbm>>) target(%dma_start3A_617 : memref<8x1024xf32, #tpu.memory_space<vmem>>) offsets(%dma_start3A_618 : memref<8xi32, #tpu.memory_space<vmem>>) semaphore(%dma_start3A_623 : memref<!tpu.dma_semaphore, #tpu.memory_space<semaphore_mem>>)
      } else {
      }
      %mul3A_376 = arith.constant 8 : i32
      %mul3A_377 = arith.muli %scan3A_241, %mul3A_376 : i32
      %add3A_378 = arith.constant 3 : i32
      %add3A_379 = arith.addi %mul3A_377, %add3A_378 : i32
      %mul3A_380 = arith.constant 8 : i32
      %mul3A_381 = arith.muli %add3A_379, %mul3A_380 : i32
      %dma_wait3A_382 = arith.constant 3 : i32
      %dma_wait3A_383 = arith.constant 3 : i32
      %dma_wait3A_384 = arith.constant 0 : i32
      %dma_wait3A_385 = arith.constant 0 : i32
      %dma_wait3A_386 = tpu.memref_slice %arg6[%dma_wait3A_382, %dma_wait3A_384, %dma_wait3A_385] : memref<8x8x1024xf32, #tpu.memory_space<vmem>> -> memref<1x8x1024xf32, #tpu.memory_space<vmem>>
      %dma_wait3A_387 = tpu.memref_squeeze %dma_wait3A_386 : memref<1x8x1024xf32, #tpu.memory_space<vmem>> -> memref<8x1024xf32, #tpu.memory_space<vmem>>
      %dma_wait3A_388 = tpu.memref_slice %arg5[%mul3A_381] : memref<1024xi32, #tpu.memory_space<vmem>> -> memref<8xi32, #tpu.memory_space<vmem>>
      %dma_wait3A_389 = arith.constant 0 : i32
      %dma_wait3A_390 = arith.constant 0 : i32
      %dma_wait3A_391 = tpu.memref_slice %arg3[%dma_wait3A_389, %dma_wait3A_390] : memref<8192x1024xf32, #tpu.memory_space<hbm>> -> memref<8192x1024xf32, #tpu.memory_space<hbm>>
      %dma_wait3A_392 = tpu.memref_slice %arg7[%dma_wait3A_383] : memref<8x!tpu.dma_semaphore, #tpu.memory_space<semaphore_mem>> -> memref<1x!tpu.dma_semaphore, #tpu.memory_space<semaphore_mem>>
      %dma_wait3A_393 = tpu.memref_squeeze %dma_wait3A_392 : memref<1x!tpu.dma_semaphore, #tpu.memory_space<semaphore_mem>> -> memref<!tpu.dma_semaphore, #tpu.memory_space<semaphore_mem>>
      tpu.wait_indirect_dma semaphore(%dma_wait3A_393 : memref<!tpu.dma_semaphore, #tpu.memory_space<semaphore_mem>>) src(%dma_wait3A_391 : memref<8192x1024xf32, #tpu.memory_space<hbm>>) dst(%dma_wait3A_387 : memref<8x1024xf32, #tpu.memory_space<vmem>>)
      %mul3A_394 = arith.constant 8 : i32
      %mul3A_395 = arith.muli %add3A_379, %mul3A_394 : i32
      %add3A_396 = arith.addi %mul3A_2, %mul3A_395 : i32
      %dma_start3A_397 = arith.constant 3 : i32
      %dma_start3A_398 = arith.constant 3 : i32
      %dma_start3A_399 = arith.constant 0 : i32
      %dma_start3A_400 = arith.constant 0 : i32
      %dma_start3A_401 = tpu.memref_slice %arg6[%dma_start3A_397, %dma_start3A_399, %dma_start3A_400] : memref<8x8x1024xf32, #tpu.memory_space<vmem>> -> memref<1x8x1024xf32, #tpu.memory_space<vmem>>
      %dma_start3A_402 = tpu.memref_squeeze %dma_start3A_401 : memref<1x8x1024xf32, #tpu.memory_space<vmem>> -> memref<8x1024xf32, #tpu.memory_space<vmem>>
      %dma_start3A_403 = arith.constant 0 : i32
      %dma_start3A_404 = tpu.memref_slice %arg4[%add3A_396, %dma_start3A_403] : memref<32768x1024xf32, #tpu.memory_space<hbm>> -> memref<8x1024xf32, #tpu.memory_space<hbm>>
      %dma_start3A_405 = tpu.memref_slice %arg8[%dma_start3A_398] : memref<8x!tpu.dma_semaphore, #tpu.memory_space<semaphore_mem>> -> memref<1x!tpu.dma_semaphore, #tpu.memory_space<semaphore_mem>>
      %dma_start3A_406 = tpu.memref_squeeze %dma_start3A_405 : memref<1x!tpu.dma_semaphore, #tpu.memory_space<semaphore_mem>> -> memref<!tpu.dma_semaphore, #tpu.memory_space<semaphore_mem>>
      %dma_start3A_407 = arith.constant 0 : i32
      %dma_start3A_408 = tpu.memref_slice %arg4[%add3A_396, %dma_start3A_407] : memref<32768x1024xf32, #tpu.memory_space<hbm>> -> memref<8x1024xf32, #tpu.memory_space<hbm>>
      %dma_start3A_409 = arith.constant 0 : i32
      %dma_start3A_410 = arith.constant 0 : i32
      %dma_start3A_411 = tpu.memref_slice %arg6[%dma_start3A_397, %dma_start3A_409, %dma_start3A_410] : memref<8x8x1024xf32, #tpu.memory_space<vmem>> -> memref<1x8x1024xf32, #tpu.memory_space<vmem>>
      %dma_start3A_412 = tpu.memref_squeeze %dma_start3A_411 : memref<1x8x1024xf32, #tpu.memory_space<vmem>> -> memref<8x1024xf32, #tpu.memory_space<vmem>>
      tpu.enqueue_dma source(%dma_start3A_412 : memref<8x1024xf32, #tpu.memory_space<vmem>>) target(%dma_start3A_408 : memref<8x1024xf32, #tpu.memory_space<hbm>>) target_semaphore(%dma_start3A_406 : memref<!tpu.dma_semaphore, #tpu.memory_space<semaphore_mem>>)
      %add3A_413 = arith.constant 8 : i32
      %add3A_414 = arith.addi %add3A_379, %add3A_413 : i32
      %sub3A_415 = arith.constant 1 : i32
      %sub3A_416 = arith.subi %add3A_414, %sub3A_415 : i32
      %lt3A_417 = arith.constant 128 : i32
      %lt3A_418 = arith.cmpi slt, %sub3A_416, %lt3A_417 : i32
      %convert_element_type3A_419 = arith.extui %lt3A_418 : i1 to i32
      %cond3A_420 = arith.constant 0 : i32
      %cond3A_421 = arith.cmpi ne, %convert_element_type3A_419, %cond3A_420 : i32
      scf.if %cond3A_421 {
        %ge3A = arith.constant 8 : i32
        %ge3A_606 = arith.cmpi sge, %sub3A_416, %ge3A : i32
        %convert_element_type3A_607 = arith.extui %ge3A_606 : i1 to i32
        %cond3A_608 = arith.constant 0 : i32
        %cond3A_609 = arith.cmpi ne, %convert_element_type3A_607, %cond3A_608 : i32
        scf.if %cond3A_609 {
          %sub3A_624 = arith.constant 8 : i32
          %sub3A_625 = arith.subi %sub3A_416, %sub3A_624 : i32
          %mul3A_626 = arith.constant 8 : i32
          %mul3A_627 = arith.muli %sub3A_625, %mul3A_626 : i32
          %add3A_628 = arith.addi %mul3A_2, %mul3A_627 : i32
          %dma_wait3A_629 = arith.constant 2 : i32
          %dma_wait3A_630 = arith.constant 2 : i32
          %dma_wait3A_631 = arith.constant 0 : i32
          %dma_wait3A_632 = arith.constant 0 : i32
          %dma_wait3A_633 = tpu.memref_slice %arg6[%dma_wait3A_629, %dma_wait3A_631, %dma_wait3A_632] : memref<8x8x1024xf32, #tpu.memory_space<vmem>> -> memref<1x8x1024xf32, #tpu.memory_space<vmem>>
          %dma_wait3A_634 = tpu.memref_squeeze %dma_wait3A_633 : memref<1x8x1024xf32, #tpu.memory_space<vmem>> -> memref<8x1024xf32, #tpu.memory_space<vmem>>
          %dma_wait3A_635 = arith.constant 0 : i32
          %dma_wait3A_636 = tpu.memref_slice %arg4[%add3A_628, %dma_wait3A_635] : memref<32768x1024xf32, #tpu.memory_space<hbm>> -> memref<8x1024xf32, #tpu.memory_space<hbm>>
          %dma_wait3A_637 = tpu.memref_slice %arg8[%dma_wait3A_630] : memref<8x!tpu.dma_semaphore, #tpu.memory_space<semaphore_mem>> -> memref<1x!tpu.dma_semaphore, #tpu.memory_space<semaphore_mem>>
          %dma_wait3A_638 = tpu.memref_squeeze %dma_wait3A_637 : memref<1x!tpu.dma_semaphore, #tpu.memory_space<semaphore_mem>> -> memref<!tpu.dma_semaphore, #tpu.memory_space<semaphore_mem>>
          %dma_wait3A_639 = arith.constant 0 : i32
          %dma_wait3A_640 = tpu.memref_slice %arg4[%add3A_628, %dma_wait3A_639] : memref<32768x1024xf32, #tpu.memory_space<hbm>> -> memref<8x1024xf32, #tpu.memory_space<hbm>>
          %dma_wait3A_641 = arith.constant 0 : i32
          %dma_wait3A_642 = arith.constant 0 : i32
          %dma_wait3A_643 = tpu.memref_slice %arg6[%dma_wait3A_629, %dma_wait3A_641, %dma_wait3A_642] : memref<8x8x1024xf32, #tpu.memory_space<vmem>> -> memref<1x8x1024xf32, #tpu.memory_space<vmem>>
          %dma_wait3A_644 = tpu.memref_squeeze %dma_wait3A_643 : memref<1x8x1024xf32, #tpu.memory_space<vmem>> -> memref<8x1024xf32, #tpu.memory_space<vmem>>
          tpu.wait_dma2 semaphore(%dma_wait3A_638 : memref<!tpu.dma_semaphore, #tpu.memory_space<semaphore_mem>>) src(%dma_wait3A_644 : memref<8x1024xf32, #tpu.memory_space<vmem>>) dst(%dma_wait3A_640 : memref<8x1024xf32, #tpu.memory_space<hbm>>)
        } else {
        }
        %mul3A_610 = arith.constant 8 : i32
        %mul3A_611 = arith.muli %sub3A_416, %mul3A_610 : i32
        %dma_start3A_612 = arith.constant 2 : i32
        %dma_start3A_613 = arith.constant 2 : i32
        %dma_start3A_614 = arith.constant 0 : i32
        %dma_start3A_615 = arith.constant 0 : i32
        %dma_start3A_616 = tpu.memref_slice %arg6[%dma_start3A_612, %dma_start3A_614, %dma_start3A_615] : memref<8x8x1024xf32, #tpu.memory_space<vmem>> -> memref<1x8x1024xf32, #tpu.memory_space<vmem>>
        %dma_start3A_617 = tpu.memref_squeeze %dma_start3A_616 : memref<1x8x1024xf32, #tpu.memory_space<vmem>> -> memref<8x1024xf32, #tpu.memory_space<vmem>>
        %dma_start3A_618 = tpu.memref_slice %arg5[%mul3A_611] : memref<1024xi32, #tpu.memory_space<vmem>> -> memref<8xi32, #tpu.memory_space<vmem>>
        %dma_start3A_619 = arith.constant 0 : i32
        %dma_start3A_620 = arith.constant 0 : i32
        %dma_start3A_621 = tpu.memref_slice %arg3[%dma_start3A_619, %dma_start3A_620] : memref<8192x1024xf32, #tpu.memory_space<hbm>> -> memref<8192x1024xf32, #tpu.memory_space<hbm>>
        %dma_start3A_622 = tpu.memref_slice %arg7[%dma_start3A_613] : memref<8x!tpu.dma_semaphore, #tpu.memory_space<semaphore_mem>> -> memref<1x!tpu.dma_semaphore, #tpu.memory_space<semaphore_mem>>
        %dma_start3A_623 = tpu.memref_squeeze %dma_start3A_622 : memref<1x!tpu.dma_semaphore, #tpu.memory_space<semaphore_mem>> -> memref<!tpu.dma_semaphore, #tpu.memory_space<semaphore_mem>>
        tpu.enqueue_indirect_dma source(%dma_start3A_621 : memref<8192x1024xf32, #tpu.memory_space<hbm>>) target(%dma_start3A_617 : memref<8x1024xf32, #tpu.memory_space<vmem>>) offsets(%dma_start3A_618 : memref<8xi32, #tpu.memory_space<vmem>>) semaphore(%dma_start3A_623 : memref<!tpu.dma_semaphore, #tpu.memory_space<semaphore_mem>>)
      } else {
      }
      %mul3A_422 = arith.constant 8 : i32
      %mul3A_423 = arith.muli %scan3A_241, %mul3A_422 : i32
      %add3A_424 = arith.constant 4 : i32
      %add3A_425 = arith.addi %mul3A_423, %add3A_424 : i32
      %mul3A_426 = arith.constant 8 : i32
      %mul3A_427 = arith.muli %add3A_425, %mul3A_426 : i32
      %dma_wait3A_428 = arith.constant 4 : i32
      %dma_wait3A_429 = arith.constant 4 : i32
      %dma_wait3A_430 = arith.constant 0 : i32
      %dma_wait3A_431 = arith.constant 0 : i32
      %dma_wait3A_432 = tpu.memref_slice %arg6[%dma_wait3A_428, %dma_wait3A_430, %dma_wait3A_431] : memref<8x8x1024xf32, #tpu.memory_space<vmem>> -> memref<1x8x1024xf32, #tpu.memory_space<vmem>>
      %dma_wait3A_433 = tpu.memref_squeeze %dma_wait3A_432 : memref<1x8x1024xf32, #tpu.memory_space<vmem>> -> memref<8x1024xf32, #tpu.memory_space<vmem>>
      %dma_wait3A_434 = tpu.memref_slice %arg5[%mul3A_427] : memref<1024xi32, #tpu.memory_space<vmem>> -> memref<8xi32, #tpu.memory_space<vmem>>
      %dma_wait3A_435 = arith.constant 0 : i32
      %dma_wait3A_436 = arith.constant 0 : i32
      %dma_wait3A_437 = tpu.memref_slice %arg3[%dma_wait3A_435, %dma_wait3A_436] : memref<8192x1024xf32, #tpu.memory_space<hbm>> -> memref<8192x1024xf32, #tpu.memory_space<hbm>>
      %dma_wait3A_438 = tpu.memref_slice %arg7[%dma_wait3A_429] : memref<8x!tpu.dma_semaphore, #tpu.memory_space<semaphore_mem>> -> memref<1x!tpu.dma_semaphore, #tpu.memory_space<semaphore_mem>>
      %dma_wait3A_439 = tpu.memref_squeeze %dma_wait3A_438 : memref<1x!tpu.dma_semaphore, #tpu.memory_space<semaphore_mem>> -> memref<!tpu.dma_semaphore, #tpu.memory_space<semaphore_mem>>
      tpu.wait_indirect_dma semaphore(%dma_wait3A_439 : memref<!tpu.dma_semaphore, #tpu.memory_space<semaphore_mem>>) src(%dma_wait3A_437 : memref<8192x1024xf32, #tpu.memory_space<hbm>>) dst(%dma_wait3A_433 : memref<8x1024xf32, #tpu.memory_space<vmem>>)
      %mul3A_440 = arith.constant 8 : i32
      %mul3A_441 = arith.muli %add3A_425, %mul3A_440 : i32
      %add3A_442 = arith.addi %mul3A_2, %mul3A_441 : i32
      %dma_start3A_443 = arith.constant 4 : i32
      %dma_start3A_444 = arith.constant 4 : i32
      %dma_start3A_445 = arith.constant 0 : i32
      %dma_start3A_446 = arith.constant 0 : i32
      %dma_start3A_447 = tpu.memref_slice %arg6[%dma_start3A_443, %dma_start3A_445, %dma_start3A_446] : memref<8x8x1024xf32, #tpu.memory_space<vmem>> -> memref<1x8x1024xf32, #tpu.memory_space<vmem>>
      %dma_start3A_448 = tpu.memref_squeeze %dma_start3A_447 : memref<1x8x1024xf32, #tpu.memory_space<vmem>> -> memref<8x1024xf32, #tpu.memory_space<vmem>>
      %dma_start3A_449 = arith.constant 0 : i32
      %dma_start3A_450 = tpu.memref_slice %arg4[%add3A_442, %dma_start3A_449] : memref<32768x1024xf32, #tpu.memory_space<hbm>> -> memref<8x1024xf32, #tpu.memory_space<hbm>>
      %dma_start3A_451 = tpu.memref_slice %arg8[%dma_start3A_444] : memref<8x!tpu.dma_semaphore, #tpu.memory_space<semaphore_mem>> -> memref<1x!tpu.dma_semaphore, #tpu.memory_space<semaphore_mem>>
      %dma_start3A_452 = tpu.memref_squeeze %dma_start3A_451 : memref<1x!tpu.dma_semaphore, #tpu.memory_space<semaphore_mem>> -> memref<!tpu.dma_semaphore, #tpu.memory_space<semaphore_mem>>
      %dma_start3A_453 = arith.constant 0 : i32
      %dma_start3A_454 = tpu.memref_slice %arg4[%add3A_442, %dma_start3A_453] : memref<32768x1024xf32, #tpu.memory_space<hbm>> -> memref<8x1024xf32, #tpu.memory_space<hbm>>
      %dma_start3A_455 = arith.constant 0 : i32
      %dma_start3A_456 = arith.constant 0 : i32
      %dma_start3A_457 = tpu.memref_slice %arg6[%dma_start3A_443, %dma_start3A_455, %dma_start3A_456] : memref<8x8x1024xf32, #tpu.memory_space<vmem>> -> memref<1x8x1024xf32, #tpu.memory_space<vmem>>
      %dma_start3A_458 = tpu.memref_squeeze %dma_start3A_457 : memref<1x8x1024xf32, #tpu.memory_space<vmem>> -> memref<8x1024xf32, #tpu.memory_space<vmem>>
      tpu.enqueue_dma source(%dma_start3A_458 : memref<8x1024xf32, #tpu.memory_space<vmem>>) target(%dma_start3A_454 : memref<8x1024xf32, #tpu.memory_space<hbm>>) target_semaphore(%dma_start3A_452 : memref<!tpu.dma_semaphore, #tpu.memory_space<semaphore_mem>>)
      %add3A_459 = arith.constant 8 : i32
      %add3A_460 = arith.addi %add3A_425, %add3A_459 : i32
      %sub3A_461 = arith.constant 1 : i32
      %sub3A_462 = arith.subi %add3A_460, %sub3A_461 : i32
      %lt3A_463 = arith.constant 128 : i32
      %lt3A_464 = arith.cmpi slt, %sub3A_462, %lt3A_463 : i32
      %convert_element_type3A_465 = arith.extui %lt3A_464 : i1 to i32
      %cond3A_466 = arith.constant 0 : i32
      %cond3A_467 = arith.cmpi ne, %convert_element_type3A_465, %cond3A_466 : i32
      scf.if %cond3A_467 {
        %ge3A = arith.constant 8 : i32
        %ge3A_606 = arith.cmpi sge, %sub3A_462, %ge3A : i32
        %convert_element_type3A_607 = arith.extui %ge3A_606 : i1 to i32
        %cond3A_608 = arith.constant 0 : i32
        %cond3A_609 = arith.cmpi ne, %convert_element_type3A_607, %cond3A_608 : i32
        scf.if %cond3A_609 {
          %sub3A_624 = arith.constant 8 : i32
          %sub3A_625 = arith.subi %sub3A_462, %sub3A_624 : i32
          %mul3A_626 = arith.constant 8 : i32
          %mul3A_627 = arith.muli %sub3A_625, %mul3A_626 : i32
          %add3A_628 = arith.addi %mul3A_2, %mul3A_627 : i32
          %dma_wait3A_629 = arith.constant 3 : i32
          %dma_wait3A_630 = arith.constant 3 : i32
          %dma_wait3A_631 = arith.constant 0 : i32
          %dma_wait3A_632 = arith.constant 0 : i32
          %dma_wait3A_633 = tpu.memref_slice %arg6[%dma_wait3A_629, %dma_wait3A_631, %dma_wait3A_632] : memref<8x8x1024xf32, #tpu.memory_space<vmem>> -> memref<1x8x1024xf32, #tpu.memory_space<vmem>>
          %dma_wait3A_634 = tpu.memref_squeeze %dma_wait3A_633 : memref<1x8x1024xf32, #tpu.memory_space<vmem>> -> memref<8x1024xf32, #tpu.memory_space<vmem>>
          %dma_wait3A_635 = arith.constant 0 : i32
          %dma_wait3A_636 = tpu.memref_slice %arg4[%add3A_628, %dma_wait3A_635] : memref<32768x1024xf32, #tpu.memory_space<hbm>> -> memref<8x1024xf32, #tpu.memory_space<hbm>>
          %dma_wait3A_637 = tpu.memref_slice %arg8[%dma_wait3A_630] : memref<8x!tpu.dma_semaphore, #tpu.memory_space<semaphore_mem>> -> memref<1x!tpu.dma_semaphore, #tpu.memory_space<semaphore_mem>>
          %dma_wait3A_638 = tpu.memref_squeeze %dma_wait3A_637 : memref<1x!tpu.dma_semaphore, #tpu.memory_space<semaphore_mem>> -> memref<!tpu.dma_semaphore, #tpu.memory_space<semaphore_mem>>
          %dma_wait3A_639 = arith.constant 0 : i32
          %dma_wait3A_640 = tpu.memref_slice %arg4[%add3A_628, %dma_wait3A_639] : memref<32768x1024xf32, #tpu.memory_space<hbm>> -> memref<8x1024xf32, #tpu.memory_space<hbm>>
          %dma_wait3A_641 = arith.constant 0 : i32
          %dma_wait3A_642 = arith.constant 0 : i32
          %dma_wait3A_643 = tpu.memref_slice %arg6[%dma_wait3A_629, %dma_wait3A_641, %dma_wait3A_642] : memref<8x8x1024xf32, #tpu.memory_space<vmem>> -> memref<1x8x1024xf32, #tpu.memory_space<vmem>>
          %dma_wait3A_644 = tpu.memref_squeeze %dma_wait3A_643 : memref<1x8x1024xf32, #tpu.memory_space<vmem>> -> memref<8x1024xf32, #tpu.memory_space<vmem>>
          tpu.wait_dma2 semaphore(%dma_wait3A_638 : memref<!tpu.dma_semaphore, #tpu.memory_space<semaphore_mem>>) src(%dma_wait3A_644 : memref<8x1024xf32, #tpu.memory_space<vmem>>) dst(%dma_wait3A_640 : memref<8x1024xf32, #tpu.memory_space<hbm>>)
        } else {
        }
        %mul3A_610 = arith.constant 8 : i32
        %mul3A_611 = arith.muli %sub3A_462, %mul3A_610 : i32
        %dma_start3A_612 = arith.constant 3 : i32
        %dma_start3A_613 = arith.constant 3 : i32
        %dma_start3A_614 = arith.constant 0 : i32
        %dma_start3A_615 = arith.constant 0 : i32
        %dma_start3A_616 = tpu.memref_slice %arg6[%dma_start3A_612, %dma_start3A_614, %dma_start3A_615] : memref<8x8x1024xf32, #tpu.memory_space<vmem>> -> memref<1x8x1024xf32, #tpu.memory_space<vmem>>
        %dma_start3A_617 = tpu.memref_squeeze %dma_start3A_616 : memref<1x8x1024xf32, #tpu.memory_space<vmem>> -> memref<8x1024xf32, #tpu.memory_space<vmem>>
        %dma_start3A_618 = tpu.memref_slice %arg5[%mul3A_611] : memref<1024xi32, #tpu.memory_space<vmem>> -> memref<8xi32, #tpu.memory_space<vmem>>
        %dma_start3A_619 = arith.constant 0 : i32
        %dma_start3A_620 = arith.constant 0 : i32
        %dma_start3A_621 = tpu.memref_slice %arg3[%dma_start3A_619, %dma_start3A_620] : memref<8192x1024xf32, #tpu.memory_space<hbm>> -> memref<8192x1024xf32, #tpu.memory_space<hbm>>
        %dma_start3A_622 = tpu.memref_slice %arg7[%dma_start3A_613] : memref<8x!tpu.dma_semaphore, #tpu.memory_space<semaphore_mem>> -> memref<1x!tpu.dma_semaphore, #tpu.memory_space<semaphore_mem>>
        %dma_start3A_623 = tpu.memref_squeeze %dma_start3A_622 : memref<1x!tpu.dma_semaphore, #tpu.memory_space<semaphore_mem>> -> memref<!tpu.dma_semaphore, #tpu.memory_space<semaphore_mem>>
        tpu.enqueue_indirect_dma source(%dma_start3A_621 : memref<8192x1024xf32, #tpu.memory_space<hbm>>) target(%dma_start3A_617 : memref<8x1024xf32, #tpu.memory_space<vmem>>) offsets(%dma_start3A_618 : memref<8xi32, #tpu.memory_space<vmem>>) semaphore(%dma_start3A_623 : memref<!tpu.dma_semaphore, #tpu.memory_space<semaphore_mem>>)
      } else {
      }
      %mul3A_468 = arith.constant 8 : i32
      %mul3A_469 = arith.muli %scan3A_241, %mul3A_468 : i32
      %add3A_470 = arith.constant 5 : i32
      %add3A_471 = arith.addi %mul3A_469, %add3A_470 : i32
      %mul3A_472 = arith.constant 8 : i32
      %mul3A_473 = arith.muli %add3A_471, %mul3A_472 : i32
      %dma_wait3A_474 = arith.constant 5 : i32
      %dma_wait3A_475 = arith.constant 5 : i32
      %dma_wait3A_476 = arith.constant 0 : i32
      %dma_wait3A_477 = arith.constant 0 : i32
      %dma_wait3A_478 = tpu.memref_slice %arg6[%dma_wait3A_474, %dma_wait3A_476, %dma_wait3A_477] : memref<8x8x1024xf32, #tpu.memory_space<vmem>> -> memref<1x8x1024xf32, #tpu.memory_space<vmem>>
      %dma_wait3A_479 = tpu.memref_squeeze %dma_wait3A_478 : memref<1x8x1024xf32, #tpu.memory_space<vmem>> -> memref<8x1024xf32, #tpu.memory_space<vmem>>
      %dma_wait3A_480 = tpu.memref_slice %arg5[%mul3A_473] : memref<1024xi32, #tpu.memory_space<vmem>> -> memref<8xi32, #tpu.memory_space<vmem>>
      %dma_wait3A_481 = arith.constant 0 : i32
      %dma_wait3A_482 = arith.constant 0 : i32
      %dma_wait3A_483 = tpu.memref_slice %arg3[%dma_wait3A_481, %dma_wait3A_482] : memref<8192x1024xf32, #tpu.memory_space<hbm>> -> memref<8192x1024xf32, #tpu.memory_space<hbm>>
      %dma_wait3A_484 = tpu.memref_slice %arg7[%dma_wait3A_475] : memref<8x!tpu.dma_semaphore, #tpu.memory_space<semaphore_mem>> -> memref<1x!tpu.dma_semaphore, #tpu.memory_space<semaphore_mem>>
      %dma_wait3A_485 = tpu.memref_squeeze %dma_wait3A_484 : memref<1x!tpu.dma_semaphore, #tpu.memory_space<semaphore_mem>> -> memref<!tpu.dma_semaphore, #tpu.memory_space<semaphore_mem>>
      tpu.wait_indirect_dma semaphore(%dma_wait3A_485 : memref<!tpu.dma_semaphore, #tpu.memory_space<semaphore_mem>>) src(%dma_wait3A_483 : memref<8192x1024xf32, #tpu.memory_space<hbm>>) dst(%dma_wait3A_479 : memref<8x1024xf32, #tpu.memory_space<vmem>>)
      %mul3A_486 = arith.constant 8 : i32
      %mul3A_487 = arith.muli %add3A_471, %mul3A_486 : i32
      %add3A_488 = arith.addi %mul3A_2, %mul3A_487 : i32
      %dma_start3A_489 = arith.constant 5 : i32
      %dma_start3A_490 = arith.constant 5 : i32
      %dma_start3A_491 = arith.constant 0 : i32
      %dma_start3A_492 = arith.constant 0 : i32
      %dma_start3A_493 = tpu.memref_slice %arg6[%dma_start3A_489, %dma_start3A_491, %dma_start3A_492] : memref<8x8x1024xf32, #tpu.memory_space<vmem>> -> memref<1x8x1024xf32, #tpu.memory_space<vmem>>
      %dma_start3A_494 = tpu.memref_squeeze %dma_start3A_493 : memref<1x8x1024xf32, #tpu.memory_space<vmem>> -> memref<8x1024xf32, #tpu.memory_space<vmem>>
      %dma_start3A_495 = arith.constant 0 : i32
      %dma_start3A_496 = tpu.memref_slice %arg4[%add3A_488, %dma_start3A_495] : memref<32768x1024xf32, #tpu.memory_space<hbm>> -> memref<8x1024xf32, #tpu.memory_space<hbm>>
      %dma_start3A_497 = tpu.memref_slice %arg8[%dma_start3A_490] : memref<8x!tpu.dma_semaphore, #tpu.memory_space<semaphore_mem>> -> memref<1x!tpu.dma_semaphore, #tpu.memory_space<semaphore_mem>>
      %dma_start3A_498 = tpu.memref_squeeze %dma_start3A_497 : memref<1x!tpu.dma_semaphore, #tpu.memory_space<semaphore_mem>> -> memref<!tpu.dma_semaphore, #tpu.memory_space<semaphore_mem>>
      %dma_start3A_499 = arith.constant 0 : i32
      %dma_start3A_500 = tpu.memref_slice %arg4[%add3A_488, %dma_start3A_499] : memref<32768x1024xf32, #tpu.memory_space<hbm>> -> memref<8x1024xf32, #tpu.memory_space<hbm>>
      %dma_start3A_501 = arith.constant 0 : i32
      %dma_start3A_502 = arith.constant 0 : i32
      %dma_start3A_503 = tpu.memref_slice %arg6[%dma_start3A_489, %dma_start3A_501, %dma_start3A_502] : memref<8x8x1024xf32, #tpu.memory_space<vmem>> -> memref<1x8x1024xf32, #tpu.memory_space<vmem>>
      %dma_start3A_504 = tpu.memref_squeeze %dma_start3A_503 : memref<1x8x1024xf32, #tpu.memory_space<vmem>> -> memref<8x1024xf32, #tpu.memory_space<vmem>>
      tpu.enqueue_dma source(%dma_start3A_504 : memref<8x1024xf32, #tpu.memory_space<vmem>>) target(%dma_start3A_500 : memref<8x1024xf32, #tpu.memory_space<hbm>>) target_semaphore(%dma_start3A_498 : memref<!tpu.dma_semaphore, #tpu.memory_space<semaphore_mem>>)
      %add3A_505 = arith.constant 8 : i32
      %add3A_506 = arith.addi %add3A_471, %add3A_505 : i32
      %sub3A_507 = arith.constant 1 : i32
      %sub3A_508 = arith.subi %add3A_506, %sub3A_507 : i32
      %lt3A_509 = arith.constant 128 : i32
      %lt3A_510 = arith.cmpi slt, %sub3A_508, %lt3A_509 : i32
      %convert_element_type3A_511 = arith.extui %lt3A_510 : i1 to i32
      %cond3A_512 = arith.constant 0 : i32
      %cond3A_513 = arith.cmpi ne, %convert_element_type3A_511, %cond3A_512 : i32
      scf.if %cond3A_513 {
        %ge3A = arith.constant 8 : i32
        %ge3A_606 = arith.cmpi sge, %sub3A_508, %ge3A : i32
        %convert_element_type3A_607 = arith.extui %ge3A_606 : i1 to i32
        %cond3A_608 = arith.constant 0 : i32
        %cond3A_609 = arith.cmpi ne, %convert_element_type3A_607, %cond3A_608 : i32
        scf.if %cond3A_609 {
          %sub3A_624 = arith.constant 8 : i32
          %sub3A_625 = arith.subi %sub3A_508, %sub3A_624 : i32
          %mul3A_626 = arith.constant 8 : i32
          %mul3A_627 = arith.muli %sub3A_625, %mul3A_626 : i32
          %add3A_628 = arith.addi %mul3A_2, %mul3A_627 : i32
          %dma_wait3A_629 = arith.constant 4 : i32
          %dma_wait3A_630 = arith.constant 4 : i32
          %dma_wait3A_631 = arith.constant 0 : i32
          %dma_wait3A_632 = arith.constant 0 : i32
          %dma_wait3A_633 = tpu.memref_slice %arg6[%dma_wait3A_629, %dma_wait3A_631, %dma_wait3A_632] : memref<8x8x1024xf32, #tpu.memory_space<vmem>> -> memref<1x8x1024xf32, #tpu.memory_space<vmem>>
          %dma_wait3A_634 = tpu.memref_squeeze %dma_wait3A_633 : memref<1x8x1024xf32, #tpu.memory_space<vmem>> -> memref<8x1024xf32, #tpu.memory_space<vmem>>
          %dma_wait3A_635 = arith.constant 0 : i32
          %dma_wait3A_636 = tpu.memref_slice %arg4[%add3A_628, %dma_wait3A_635] : memref<32768x1024xf32, #tpu.memory_space<hbm>> -> memref<8x1024xf32, #tpu.memory_space<hbm>>
          %dma_wait3A_637 = tpu.memref_slice %arg8[%dma_wait3A_630] : memref<8x!tpu.dma_semaphore, #tpu.memory_space<semaphore_mem>> -> memref<1x!tpu.dma_semaphore, #tpu.memory_space<semaphore_mem>>
          %dma_wait3A_638 = tpu.memref_squeeze %dma_wait3A_637 : memref<1x!tpu.dma_semaphore, #tpu.memory_space<semaphore_mem>> -> memref<!tpu.dma_semaphore, #tpu.memory_space<semaphore_mem>>
          %dma_wait3A_639 = arith.constant 0 : i32
          %dma_wait3A_640 = tpu.memref_slice %arg4[%add3A_628, %dma_wait3A_639] : memref<32768x1024xf32, #tpu.memory_space<hbm>> -> memref<8x1024xf32, #tpu.memory_space<hbm>>
          %dma_wait3A_641 = arith.constant 0 : i32
          %dma_wait3A_642 = arith.constant 0 : i32
          %dma_wait3A_643 = tpu.memref_slice %arg6[%dma_wait3A_629, %dma_wait3A_641, %dma_wait3A_642] : memref<8x8x1024xf32, #tpu.memory_space<vmem>> -> memref<1x8x1024xf32, #tpu.memory_space<vmem>>
          %dma_wait3A_644 = tpu.memref_squeeze %dma_wait3A_643 : memref<1x8x1024xf32, #tpu.memory_space<vmem>> -> memref<8x1024xf32, #tpu.memory_space<vmem>>
          tpu.wait_dma2 semaphore(%dma_wait3A_638 : memref<!tpu.dma_semaphore, #tpu.memory_space<semaphore_mem>>) src(%dma_wait3A_644 : memref<8x1024xf32, #tpu.memory_space<vmem>>) dst(%dma_wait3A_640 : memref<8x1024xf32, #tpu.memory_space<hbm>>)
        } else {
        }
        %mul3A_610 = arith.constant 8 : i32
        %mul3A_611 = arith.muli %sub3A_508, %mul3A_610 : i32
        %dma_start3A_612 = arith.constant 4 : i32
        %dma_start3A_613 = arith.constant 4 : i32
        %dma_start3A_614 = arith.constant 0 : i32
        %dma_start3A_615 = arith.constant 0 : i32
        %dma_start3A_616 = tpu.memref_slice %arg6[%dma_start3A_612, %dma_start3A_614, %dma_start3A_615] : memref<8x8x1024xf32, #tpu.memory_space<vmem>> -> memref<1x8x1024xf32, #tpu.memory_space<vmem>>
        %dma_start3A_617 = tpu.memref_squeeze %dma_start3A_616 : memref<1x8x1024xf32, #tpu.memory_space<vmem>> -> memref<8x1024xf32, #tpu.memory_space<vmem>>
        %dma_start3A_618 = tpu.memref_slice %arg5[%mul3A_611] : memref<1024xi32, #tpu.memory_space<vmem>> -> memref<8xi32, #tpu.memory_space<vmem>>
        %dma_start3A_619 = arith.constant 0 : i32
        %dma_start3A_620 = arith.constant 0 : i32
        %dma_start3A_621 = tpu.memref_slice %arg3[%dma_start3A_619, %dma_start3A_620] : memref<8192x1024xf32, #tpu.memory_space<hbm>> -> memref<8192x1024xf32, #tpu.memory_space<hbm>>
        %dma_start3A_622 = tpu.memref_slice %arg7[%dma_start3A_613] : memref<8x!tpu.dma_semaphore, #tpu.memory_space<semaphore_mem>> -> memref<1x!tpu.dma_semaphore, #tpu.memory_space<semaphore_mem>>
        %dma_start3A_623 = tpu.memref_squeeze %dma_start3A_622 : memref<1x!tpu.dma_semaphore, #tpu.memory_space<semaphore_mem>> -> memref<!tpu.dma_semaphore, #tpu.memory_space<semaphore_mem>>
        tpu.enqueue_indirect_dma source(%dma_start3A_621 : memref<8192x1024xf32, #tpu.memory_space<hbm>>) target(%dma_start3A_617 : memref<8x1024xf32, #tpu.memory_space<vmem>>) offsets(%dma_start3A_618 : memref<8xi32, #tpu.memory_space<vmem>>) semaphore(%dma_start3A_623 : memref<!tpu.dma_semaphore, #tpu.memory_space<semaphore_mem>>)
      } else {
      }
      %mul3A_514 = arith.constant 8 : i32
      %mul3A_515 = arith.muli %scan3A_241, %mul3A_514 : i32
      %add3A_516 = arith.constant 6 : i32
      %add3A_517 = arith.addi %mul3A_515, %add3A_516 : i32
      %mul3A_518 = arith.constant 8 : i32
      %mul3A_519 = arith.muli %add3A_517, %mul3A_518 : i32
      %dma_wait3A_520 = arith.constant 6 : i32
      %dma_wait3A_521 = arith.constant 6 : i32
      %dma_wait3A_522 = arith.constant 0 : i32
      %dma_wait3A_523 = arith.constant 0 : i32
      %dma_wait3A_524 = tpu.memref_slice %arg6[%dma_wait3A_520, %dma_wait3A_522, %dma_wait3A_523] : memref<8x8x1024xf32, #tpu.memory_space<vmem>> -> memref<1x8x1024xf32, #tpu.memory_space<vmem>>
      %dma_wait3A_525 = tpu.memref_squeeze %dma_wait3A_524 : memref<1x8x1024xf32, #tpu.memory_space<vmem>> -> memref<8x1024xf32, #tpu.memory_space<vmem>>
      %dma_wait3A_526 = tpu.memref_slice %arg5[%mul3A_519] : memref<1024xi32, #tpu.memory_space<vmem>> -> memref<8xi32, #tpu.memory_space<vmem>>
      %dma_wait3A_527 = arith.constant 0 : i32
      %dma_wait3A_528 = arith.constant 0 : i32
      %dma_wait3A_529 = tpu.memref_slice %arg3[%dma_wait3A_527, %dma_wait3A_528] : memref<8192x1024xf32, #tpu.memory_space<hbm>> -> memref<8192x1024xf32, #tpu.memory_space<hbm>>
      %dma_wait3A_530 = tpu.memref_slice %arg7[%dma_wait3A_521] : memref<8x!tpu.dma_semaphore, #tpu.memory_space<semaphore_mem>> -> memref<1x!tpu.dma_semaphore, #tpu.memory_space<semaphore_mem>>
      %dma_wait3A_531 = tpu.memref_squeeze %dma_wait3A_530 : memref<1x!tpu.dma_semaphore, #tpu.memory_space<semaphore_mem>> -> memref<!tpu.dma_semaphore, #tpu.memory_space<semaphore_mem>>
      tpu.wait_indirect_dma semaphore(%dma_wait3A_531 : memref<!tpu.dma_semaphore, #tpu.memory_space<semaphore_mem>>) src(%dma_wait3A_529 : memref<8192x1024xf32, #tpu.memory_space<hbm>>) dst(%dma_wait3A_525 : memref<8x1024xf32, #tpu.memory_space<vmem>>)
      %mul3A_532 = arith.constant 8 : i32
      %mul3A_533 = arith.muli %add3A_517, %mul3A_532 : i32
      %add3A_534 = arith.addi %mul3A_2, %mul3A_533 : i32
      %dma_start3A_535 = arith.constant 6 : i32
      %dma_start3A_536 = arith.constant 6 : i32
      %dma_start3A_537 = arith.constant 0 : i32
      %dma_start3A_538 = arith.constant 0 : i32
      %dma_start3A_539 = tpu.memref_slice %arg6[%dma_start3A_535, %dma_start3A_537, %dma_start3A_538] : memref<8x8x1024xf32, #tpu.memory_space<vmem>> -> memref<1x8x1024xf32, #tpu.memory_space<vmem>>
      %dma_start3A_540 = tpu.memref_squeeze %dma_start3A_539 : memref<1x8x1024xf32, #tpu.memory_space<vmem>> -> memref<8x1024xf32, #tpu.memory_space<vmem>>
      %dma_start3A_541 = arith.constant 0 : i32
      %dma_start3A_542 = tpu.memref_slice %arg4[%add3A_534, %dma_start3A_541] : memref<32768x1024xf32, #tpu.memory_space<hbm>> -> memref<8x1024xf32, #tpu.memory_space<hbm>>
      %dma_start3A_543 = tpu.memref_slice %arg8[%dma_start3A_536] : memref<8x!tpu.dma_semaphore, #tpu.memory_space<semaphore_mem>> -> memref<1x!tpu.dma_semaphore, #tpu.memory_space<semaphore_mem>>
      %dma_start3A_544 = tpu.memref_squeeze %dma_start3A_543 : memref<1x!tpu.dma_semaphore, #tpu.memory_space<semaphore_mem>> -> memref<!tpu.dma_semaphore, #tpu.memory_space<semaphore_mem>>
      %dma_start3A_545 = arith.constant 0 : i32
      %dma_start3A_546 = tpu.memref_slice %arg4[%add3A_534, %dma_start3A_545] : memref<32768x1024xf32, #tpu.memory_space<hbm>> -> memref<8x1024xf32, #tpu.memory_space<hbm>>
      %dma_start3A_547 = arith.constant 0 : i32
      %dma_start3A_548 = arith.constant 0 : i32
      %dma_start3A_549 = tpu.memref_slice %arg6[%dma_start3A_535, %dma_start3A_547, %dma_start3A_548] : memref<8x8x1024xf32, #tpu.memory_space<vmem>> -> memref<1x8x1024xf32, #tpu.memory_space<vmem>>
      %dma_start3A_550 = tpu.memref_squeeze %dma_start3A_549 : memref<1x8x1024xf32, #tpu.memory_space<vmem>> -> memref<8x1024xf32, #tpu.memory_space<vmem>>
      tpu.enqueue_dma source(%dma_start3A_550 : memref<8x1024xf32, #tpu.memory_space<vmem>>) target(%dma_start3A_546 : memref<8x1024xf32, #tpu.memory_space<hbm>>) target_semaphore(%dma_start3A_544 : memref<!tpu.dma_semaphore, #tpu.memory_space<semaphore_mem>>)
      %add3A_551 = arith.constant 8 : i32
      %add3A_552 = arith.addi %add3A_517, %add3A_551 : i32
      %sub3A_553 = arith.constant 1 : i32
      %sub3A_554 = arith.subi %add3A_552, %sub3A_553 : i32
      %lt3A_555 = arith.constant 128 : i32
      %lt3A_556 = arith.cmpi slt, %sub3A_554, %lt3A_555 : i32
      %convert_element_type3A_557 = arith.extui %lt3A_556 : i1 to i32
      %cond3A_558 = arith.constant 0 : i32
      %cond3A_559 = arith.cmpi ne, %convert_element_type3A_557, %cond3A_558 : i32
      scf.if %cond3A_559 {
        %ge3A = arith.constant 8 : i32
        %ge3A_606 = arith.cmpi sge, %sub3A_554, %ge3A : i32
        %convert_element_type3A_607 = arith.extui %ge3A_606 : i1 to i32
        %cond3A_608 = arith.constant 0 : i32
        %cond3A_609 = arith.cmpi ne, %convert_element_type3A_607, %cond3A_608 : i32
        scf.if %cond3A_609 {
          %sub3A_624 = arith.constant 8 : i32
          %sub3A_625 = arith.subi %sub3A_554, %sub3A_624 : i32
          %mul3A_626 = arith.constant 8 : i32
          %mul3A_627 = arith.muli %sub3A_625, %mul3A_626 : i32
          %add3A_628 = arith.addi %mul3A_2, %mul3A_627 : i32
          %dma_wait3A_629 = arith.constant 5 : i32
          %dma_wait3A_630 = arith.constant 5 : i32
          %dma_wait3A_631 = arith.constant 0 : i32
          %dma_wait3A_632 = arith.constant 0 : i32
          %dma_wait3A_633 = tpu.memref_slice %arg6[%dma_wait3A_629, %dma_wait3A_631, %dma_wait3A_632] : memref<8x8x1024xf32, #tpu.memory_space<vmem>> -> memref<1x8x1024xf32, #tpu.memory_space<vmem>>
          %dma_wait3A_634 = tpu.memref_squeeze %dma_wait3A_633 : memref<1x8x1024xf32, #tpu.memory_space<vmem>> -> memref<8x1024xf32, #tpu.memory_space<vmem>>
          %dma_wait3A_635 = arith.constant 0 : i32
          %dma_wait3A_636 = tpu.memref_slice %arg4[%add3A_628, %dma_wait3A_635] : memref<32768x1024xf32, #tpu.memory_space<hbm>> -> memref<8x1024xf32, #tpu.memory_space<hbm>>
          %dma_wait3A_637 = tpu.memref_slice %arg8[%dma_wait3A_630] : memref<8x!tpu.dma_semaphore, #tpu.memory_space<semaphore_mem>> -> memref<1x!tpu.dma_semaphore, #tpu.memory_space<semaphore_mem>>
          %dma_wait3A_638 = tpu.memref_squeeze %dma_wait3A_637 : memref<1x!tpu.dma_semaphore, #tpu.memory_space<semaphore_mem>> -> memref<!tpu.dma_semaphore, #tpu.memory_space<semaphore_mem>>
          %dma_wait3A_639 = arith.constant 0 : i32
          %dma_wait3A_640 = tpu.memref_slice %arg4[%add3A_628, %dma_wait3A_639] : memref<32768x1024xf32, #tpu.memory_space<hbm>> -> memref<8x1024xf32, #tpu.memory_space<hbm>>
          %dma_wait3A_641 = arith.constant 0 : i32
          %dma_wait3A_642 = arith.constant 0 : i32
          %dma_wait3A_643 = tpu.memref_slice %arg6[%dma_wait3A_629, %dma_wait3A_641, %dma_wait3A_642] : memref<8x8x1024xf32, #tpu.memory_space<vmem>> -> memref<1x8x1024xf32, #tpu.memory_space<vmem>>
          %dma_wait3A_644 = tpu.memref_squeeze %dma_wait3A_643 : memref<1x8x1024xf32, #tpu.memory_space<vmem>> -> memref<8x1024xf32, #tpu.memory_space<vmem>>
          tpu.wait_dma2 semaphore(%dma_wait3A_638 : memref<!tpu.dma_semaphore, #tpu.memory_space<semaphore_mem>>) src(%dma_wait3A_644 : memref<8x1024xf32, #tpu.memory_space<vmem>>) dst(%dma_wait3A_640 : memref<8x1024xf32, #tpu.memory_space<hbm>>)
        } else {
        }
        %mul3A_610 = arith.constant 8 : i32
        %mul3A_611 = arith.muli %sub3A_554, %mul3A_610 : i32
        %dma_start3A_612 = arith.constant 5 : i32
        %dma_start3A_613 = arith.constant 5 : i32
        %dma_start3A_614 = arith.constant 0 : i32
        %dma_start3A_615 = arith.constant 0 : i32
        %dma_start3A_616 = tpu.memref_slice %arg6[%dma_start3A_612, %dma_start3A_614, %dma_start3A_615] : memref<8x8x1024xf32, #tpu.memory_space<vmem>> -> memref<1x8x1024xf32, #tpu.memory_space<vmem>>
        %dma_start3A_617 = tpu.memref_squeeze %dma_start3A_616 : memref<1x8x1024xf32, #tpu.memory_space<vmem>> -> memref<8x1024xf32, #tpu.memory_space<vmem>>
        %dma_start3A_618 = tpu.memref_slice %arg5[%mul3A_611] : memref<1024xi32, #tpu.memory_space<vmem>> -> memref<8xi32, #tpu.memory_space<vmem>>
        %dma_start3A_619 = arith.constant 0 : i32
        %dma_start3A_620 = arith.constant 0 : i32
        %dma_start3A_621 = tpu.memref_slice %arg3[%dma_start3A_619, %dma_start3A_620] : memref<8192x1024xf32, #tpu.memory_space<hbm>> -> memref<8192x1024xf32, #tpu.memory_space<hbm>>
        %dma_start3A_622 = tpu.memref_slice %arg7[%dma_start3A_613] : memref<8x!tpu.dma_semaphore, #tpu.memory_space<semaphore_mem>> -> memref<1x!tpu.dma_semaphore, #tpu.memory_space<semaphore_mem>>
        %dma_start3A_623 = tpu.memref_squeeze %dma_start3A_622 : memref<1x!tpu.dma_semaphore, #tpu.memory_space<semaphore_mem>> -> memref<!tpu.dma_semaphore, #tpu.memory_space<semaphore_mem>>
        tpu.enqueue_indirect_dma source(%dma_start3A_621 : memref<8192x1024xf32, #tpu.memory_space<hbm>>) target(%dma_start3A_617 : memref<8x1024xf32, #tpu.memory_space<vmem>>) offsets(%dma_start3A_618 : memref<8xi32, #tpu.memory_space<vmem>>) semaphore(%dma_start3A_623 : memref<!tpu.dma_semaphore, #tpu.memory_space<semaphore_mem>>)
      } else {
      }
      %mul3A_560 = arith.constant 8 : i32
      %mul3A_561 = arith.muli %scan3A_241, %mul3A_560 : i32
      %add3A_562 = arith.constant 7 : i32
      %add3A_563 = arith.addi %mul3A_561, %add3A_562 : i32
      %mul3A_564 = arith.constant 8 : i32
      %mul3A_565 = arith.muli %add3A_563, %mul3A_564 : i32
      %dma_wait3A_566 = arith.constant 7 : i32
      %dma_wait3A_567 = arith.constant 7 : i32
      %dma_wait3A_568 = arith.constant 0 : i32
      %dma_wait3A_569 = arith.constant 0 : i32
      %dma_wait3A_570 = tpu.memref_slice %arg6[%dma_wait3A_566, %dma_wait3A_568, %dma_wait3A_569] : memref<8x8x1024xf32, #tpu.memory_space<vmem>> -> memref<1x8x1024xf32, #tpu.memory_space<vmem>>
      %dma_wait3A_571 = tpu.memref_squeeze %dma_wait3A_570 : memref<1x8x1024xf32, #tpu.memory_space<vmem>> -> memref<8x1024xf32, #tpu.memory_space<vmem>>
      %dma_wait3A_572 = tpu.memref_slice %arg5[%mul3A_565] : memref<1024xi32, #tpu.memory_space<vmem>> -> memref<8xi32, #tpu.memory_space<vmem>>
      %dma_wait3A_573 = arith.constant 0 : i32
      %dma_wait3A_574 = arith.constant 0 : i32
      %dma_wait3A_575 = tpu.memref_slice %arg3[%dma_wait3A_573, %dma_wait3A_574] : memref<8192x1024xf32, #tpu.memory_space<hbm>> -> memref<8192x1024xf32, #tpu.memory_space<hbm>>
      %dma_wait3A_576 = tpu.memref_slice %arg7[%dma_wait3A_567] : memref<8x!tpu.dma_semaphore, #tpu.memory_space<semaphore_mem>> -> memref<1x!tpu.dma_semaphore, #tpu.memory_space<semaphore_mem>>
      %dma_wait3A_577 = tpu.memref_squeeze %dma_wait3A_576 : memref<1x!tpu.dma_semaphore, #tpu.memory_space<semaphore_mem>> -> memref<!tpu.dma_semaphore, #tpu.memory_space<semaphore_mem>>
      tpu.wait_indirect_dma semaphore(%dma_wait3A_577 : memref<!tpu.dma_semaphore, #tpu.memory_space<semaphore_mem>>) src(%dma_wait3A_575 : memref<8192x1024xf32, #tpu.memory_space<hbm>>) dst(%dma_wait3A_571 : memref<8x1024xf32, #tpu.memory_space<vmem>>)
      %mul3A_578 = arith.constant 8 : i32
      %mul3A_579 = arith.muli %add3A_563, %mul3A_578 : i32
      %add3A_580 = arith.addi %mul3A_2, %mul3A_579 : i32
      %dma_start3A_581 = arith.constant 7 : i32
      %dma_start3A_582 = arith.constant 7 : i32
      %dma_start3A_583 = arith.constant 0 : i32
      %dma_start3A_584 = arith.constant 0 : i32
      %dma_start3A_585 = tpu.memref_slice %arg6[%dma_start3A_581, %dma_start3A_583, %dma_start3A_584] : memref<8x8x1024xf32, #tpu.memory_space<vmem>> -> memref<1x8x1024xf32, #tpu.memory_space<vmem>>
      %dma_start3A_586 = tpu.memref_squeeze %dma_start3A_585 : memref<1x8x1024xf32, #tpu.memory_space<vmem>> -> memref<8x1024xf32, #tpu.memory_space<vmem>>
      %dma_start3A_587 = arith.constant 0 : i32
      %dma_start3A_588 = tpu.memref_slice %arg4[%add3A_580, %dma_start3A_587] : memref<32768x1024xf32, #tpu.memory_space<hbm>> -> memref<8x1024xf32, #tpu.memory_space<hbm>>
      %dma_start3A_589 = tpu.memref_slice %arg8[%dma_start3A_582] : memref<8x!tpu.dma_semaphore, #tpu.memory_space<semaphore_mem>> -> memref<1x!tpu.dma_semaphore, #tpu.memory_space<semaphore_mem>>
      %dma_start3A_590 = tpu.memref_squeeze %dma_start3A_589 : memref<1x!tpu.dma_semaphore, #tpu.memory_space<semaphore_mem>> -> memref<!tpu.dma_semaphore, #tpu.memory_space<semaphore_mem>>
      %dma_start3A_591 = arith.constant 0 : i32
      %dma_start3A_592 = tpu.memref_slice %arg4[%add3A_580, %dma_start3A_591] : memref<32768x1024xf32, #tpu.memory_space<hbm>> -> memref<8x1024xf32, #tpu.memory_space<hbm>>
      %dma_start3A_593 = arith.constant 0 : i32
      %dma_start3A_594 = arith.constant 0 : i32
      %dma_start3A_595 = tpu.memref_slice %arg6[%dma_start3A_581, %dma_start3A_593, %dma_start3A_594] : memref<8x8x1024xf32, #tpu.memory_space<vmem>> -> memref<1x8x1024xf32, #tpu.memory_space<vmem>>
      %dma_start3A_596 = tpu.memref_squeeze %dma_start3A_595 : memref<1x8x1024xf32, #tpu.memory_space<vmem>> -> memref<8x1024xf32, #tpu.memory_space<vmem>>
      tpu.enqueue_dma source(%dma_start3A_596 : memref<8x1024xf32, #tpu.memory_space<vmem>>) target(%dma_start3A_592 : memref<8x1024xf32, #tpu.memory_space<hbm>>) target_semaphore(%dma_start3A_590 : memref<!tpu.dma_semaphore, #tpu.memory_space<semaphore_mem>>)
      %add3A_597 = arith.constant 8 : i32
      %add3A_598 = arith.addi %add3A_563, %add3A_597 : i32
      %sub3A_599 = arith.constant 1 : i32
      %sub3A_600 = arith.subi %add3A_598, %sub3A_599 : i32
      %lt3A_601 = arith.constant 128 : i32
      %lt3A_602 = arith.cmpi slt, %sub3A_600, %lt3A_601 : i32
      %convert_element_type3A_603 = arith.extui %lt3A_602 : i1 to i32
      %cond3A_604 = arith.constant 0 : i32
      %cond3A_605 = arith.cmpi ne, %convert_element_type3A_603, %cond3A_604 : i32
      scf.if %cond3A_605 {
        %ge3A = arith.constant 8 : i32
        %ge3A_606 = arith.cmpi sge, %sub3A_600, %ge3A : i32
        %convert_element_type3A_607 = arith.extui %ge3A_606 : i1 to i32
        %cond3A_608 = arith.constant 0 : i32
        %cond3A_609 = arith.cmpi ne, %convert_element_type3A_607, %cond3A_608 : i32
        scf.if %cond3A_609 {
          %sub3A_624 = arith.constant 8 : i32
          %sub3A_625 = arith.subi %sub3A_600, %sub3A_624 : i32
          %mul3A_626 = arith.constant 8 : i32
          %mul3A_627 = arith.muli %sub3A_625, %mul3A_626 : i32
          %add3A_628 = arith.addi %mul3A_2, %mul3A_627 : i32
          %dma_wait3A_629 = arith.constant 6 : i32
          %dma_wait3A_630 = arith.constant 6 : i32
          %dma_wait3A_631 = arith.constant 0 : i32
          %dma_wait3A_632 = arith.constant 0 : i32
          %dma_wait3A_633 = tpu.memref_slice %arg6[%dma_wait3A_629, %dma_wait3A_631, %dma_wait3A_632] : memref<8x8x1024xf32, #tpu.memory_space<vmem>> -> memref<1x8x1024xf32, #tpu.memory_space<vmem>>
          %dma_wait3A_634 = tpu.memref_squeeze %dma_wait3A_633 : memref<1x8x1024xf32, #tpu.memory_space<vmem>> -> memref<8x1024xf32, #tpu.memory_space<vmem>>
          %dma_wait3A_635 = arith.constant 0 : i32
          %dma_wait3A_636 = tpu.memref_slice %arg4[%add3A_628, %dma_wait3A_635] : memref<32768x1024xf32, #tpu.memory_space<hbm>> -> memref<8x1024xf32, #tpu.memory_space<hbm>>
          %dma_wait3A_637 = tpu.memref_slice %arg8[%dma_wait3A_630] : memref<8x!tpu.dma_semaphore, #tpu.memory_space<semaphore_mem>> -> memref<1x!tpu.dma_semaphore, #tpu.memory_space<semaphore_mem>>
          %dma_wait3A_638 = tpu.memref_squeeze %dma_wait3A_637 : memref<1x!tpu.dma_semaphore, #tpu.memory_space<semaphore_mem>> -> memref<!tpu.dma_semaphore, #tpu.memory_space<semaphore_mem>>
          %dma_wait3A_639 = arith.constant 0 : i32
          %dma_wait3A_640 = tpu.memref_slice %arg4[%add3A_628, %dma_wait3A_639] : memref<32768x1024xf32, #tpu.memory_space<hbm>> -> memref<8x1024xf32, #tpu.memory_space<hbm>>
          %dma_wait3A_641 = arith.constant 0 : i32
          %dma_wait3A_642 = arith.constant 0 : i32
          %dma_wait3A_643 = tpu.memref_slice %arg6[%dma_wait3A_629, %dma_wait3A_641, %dma_wait3A_642] : memref<8x8x1024xf32, #tpu.memory_space<vmem>> -> memref<1x8x1024xf32, #tpu.memory_space<vmem>>
          %dma_wait3A_644 = tpu.memref_squeeze %dma_wait3A_643 : memref<1x8x1024xf32, #tpu.memory_space<vmem>> -> memref<8x1024xf32, #tpu.memory_space<vmem>>
          tpu.wait_dma2 semaphore(%dma_wait3A_638 : memref<!tpu.dma_semaphore, #tpu.memory_space<semaphore_mem>>) src(%dma_wait3A_644 : memref<8x1024xf32, #tpu.memory_space<vmem>>) dst(%dma_wait3A_640 : memref<8x1024xf32, #tpu.memory_space<hbm>>)
        } else {
        }
        %mul3A_610 = arith.constant 8 : i32
        %mul3A_611 = arith.muli %sub3A_600, %mul3A_610 : i32
        %dma_start3A_612 = arith.constant 6 : i32
        %dma_start3A_613 = arith.constant 6 : i32
        %dma_start3A_614 = arith.constant 0 : i32
        %dma_start3A_615 = arith.constant 0 : i32
        %dma_start3A_616 = tpu.memref_slice %arg6[%dma_start3A_612, %dma_start3A_614, %dma_start3A_615] : memref<8x8x1024xf32, #tpu.memory_space<vmem>> -> memref<1x8x1024xf32, #tpu.memory_space<vmem>>
        %dma_start3A_617 = tpu.memref_squeeze %dma_start3A_616 : memref<1x8x1024xf32, #tpu.memory_space<vmem>> -> memref<8x1024xf32, #tpu.memory_space<vmem>>
        %dma_start3A_618 = tpu.memref_slice %arg5[%mul3A_611] : memref<1024xi32, #tpu.memory_space<vmem>> -> memref<8xi32, #tpu.memory_space<vmem>>
        %dma_start3A_619 = arith.constant 0 : i32
        %dma_start3A_620 = arith.constant 0 : i32
        %dma_start3A_621 = tpu.memref_slice %arg3[%dma_start3A_619, %dma_start3A_620] : memref<8192x1024xf32, #tpu.memory_space<hbm>> -> memref<8192x1024xf32, #tpu.memory_space<hbm>>
        %dma_start3A_622 = tpu.memref_slice %arg7[%dma_start3A_613] : memref<8x!tpu.dma_semaphore, #tpu.memory_space<semaphore_mem>> -> memref<1x!tpu.dma_semaphore, #tpu.memory_space<semaphore_mem>>
        %dma_start3A_623 = tpu.memref_squeeze %dma_start3A_622 : memref<1x!tpu.dma_semaphore, #tpu.memory_space<semaphore_mem>> -> memref<!tpu.dma_semaphore, #tpu.memory_space<semaphore_mem>>
        tpu.enqueue_indirect_dma source(%dma_start3A_621 : memref<8192x1024xf32, #tpu.memory_space<hbm>>) target(%dma_start3A_617 : memref<8x1024xf32, #tpu.memory_space<vmem>>) offsets(%dma_start3A_618 : memref<8xi32, #tpu.memory_space<vmem>>) semaphore(%dma_start3A_623 : memref<!tpu.dma_semaphore, #tpu.memory_space<semaphore_mem>>)
      } else {
      }
    }
    %scan3A_97 = arith.constant 16 : i32
    %add3A_98 = arith.constant 960 : i32
    %add3A_99 = arith.addi %mul3A_2, %add3A_98 : i32
    %dma_wait3A = arith.constant 0 : i32
    %dma_wait3A_100 = arith.constant 0 : i32
    %dma_wait3A_101 = arith.constant 0 : i32
    %dma_wait3A_102 = arith.constant 0 : i32
    %dma_wait3A_103 = tpu.memref_slice %arg6[%dma_wait3A, %dma_wait3A_101, %dma_wait3A_102] : memref<8x8x1024xf32, #tpu.memory_space<vmem>> -> memref<1x8x1024xf32, #tpu.memory_space<vmem>>
    %dma_wait3A_104 = tpu.memref_squeeze %dma_wait3A_103 : memref<1x8x1024xf32, #tpu.memory_space<vmem>> -> memref<8x1024xf32, #tpu.memory_space<vmem>>
    %dma_wait3A_105 = arith.constant 0 : i32
    %dma_wait3A_106 = tpu.memref_slice %arg4[%add3A_99, %dma_wait3A_105] : memref<32768x1024xf32, #tpu.memory_space<hbm>> -> memref<8x1024xf32, #tpu.memory_space<hbm>>
    %dma_wait3A_107 = tpu.memref_slice %arg8[%dma_wait3A_100] : memref<8x!tpu.dma_semaphore, #tpu.memory_space<semaphore_mem>> -> memref<1x!tpu.dma_semaphore, #tpu.memory_space<semaphore_mem>>
    %dma_wait3A_108 = tpu.memref_squeeze %dma_wait3A_107 : memref<1x!tpu.dma_semaphore, #tpu.memory_space<semaphore_mem>> -> memref<!tpu.dma_semaphore, #tpu.memory_space<semaphore_mem>>
    %dma_wait3A_109 = arith.constant 0 : i32
    %dma_wait3A_110 = tpu.memref_slice %arg4[%add3A_99, %dma_wait3A_109] : memref<32768x1024xf32, #tpu.memory_space<hbm>> -> memref<8x1024xf32, #tpu.memory_space<hbm>>
    %dma_wait3A_111 = arith.constant 0 : i32
    %dma_wait3A_112 = arith.constant 0 : i32
    %dma_wait3A_113 = tpu.memref_slice %arg6[%dma_wait3A, %dma_wait3A_111, %dma_wait3A_112] : memref<8x8x1024xf32, #tpu.memory_space<vmem>> -> memref<1x8x1024xf32, #tpu.memory_space<vmem>>
    %dma_wait3A_114 = tpu.memref_squeeze %dma_wait3A_113 : memref<1x8x1024xf32, #tpu.memory_space<vmem>> -> memref<8x1024xf32, #tpu.memory_space<vmem>>
    tpu.wait_dma2 semaphore(%dma_wait3A_108 : memref<!tpu.dma_semaphore, #tpu.memory_space<semaphore_mem>>) src(%dma_wait3A_114 : memref<8x1024xf32, #tpu.memory_space<vmem>>) dst(%dma_wait3A_110 : memref<8x1024xf32, #tpu.memory_space<hbm>>)
    %add3A_115 = arith.constant 968 : i32
    %add3A_116 = arith.addi %mul3A_2, %add3A_115 : i32
    %dma_wait3A_117 = arith.constant 1 : i32
    %dma_wait3A_118 = arith.constant 1 : i32
    %dma_wait3A_119 = arith.constant 0 : i32
    %dma_wait3A_120 = arith.constant 0 : i32
    %dma_wait3A_121 = tpu.memref_slice %arg6[%dma_wait3A_117, %dma_wait3A_119, %dma_wait3A_120] : memref<8x8x1024xf32, #tpu.memory_space<vmem>> -> memref<1x8x1024xf32, #tpu.memory_space<vmem>>
    %dma_wait3A_122 = tpu.memref_squeeze %dma_wait3A_121 : memref<1x8x1024xf32, #tpu.memory_space<vmem>> -> memref<8x1024xf32, #tpu.memory_space<vmem>>
    %dma_wait3A_123 = arith.constant 0 : i32
    %dma_wait3A_124 = tpu.memref_slice %arg4[%add3A_116, %dma_wait3A_123] : memref<32768x1024xf32, #tpu.memory_space<hbm>> -> memref<8x1024xf32, #tpu.memory_space<hbm>>
    %dma_wait3A_125 = tpu.memref_slice %arg8[%dma_wait3A_118] : memref<8x!tpu.dma_semaphore, #tpu.memory_space<semaphore_mem>> -> memref<1x!tpu.dma_semaphore, #tpu.memory_space<semaphore_mem>>
    %dma_wait3A_126 = tpu.memref_squeeze %dma_wait3A_125 : memref<1x!tpu.dma_semaphore, #tpu.memory_space<semaphore_mem>> -> memref<!tpu.dma_semaphore, #tpu.memory_space<semaphore_mem>>
    %dma_wait3A_127 = arith.constant 0 : i32
    %dma_wait3A_128 = tpu.memref_slice %arg4[%add3A_116, %dma_wait3A_127] : memref<32768x1024xf32, #tpu.memory_space<hbm>> -> memref<8x1024xf32, #tpu.memory_space<hbm>>
    %dma_wait3A_129 = arith.constant 0 : i32
    %dma_wait3A_130 = arith.constant 0 : i32
    %dma_wait3A_131 = tpu.memref_slice %arg6[%dma_wait3A_117, %dma_wait3A_129, %dma_wait3A_130] : memref<8x8x1024xf32, #tpu.memory_space<vmem>> -> memref<1x8x1024xf32, #tpu.memory_space<vmem>>
    %dma_wait3A_132 = tpu.memref_squeeze %dma_wait3A_131 : memref<1x8x1024xf32, #tpu.memory_space<vmem>> -> memref<8x1024xf32, #tpu.memory_space<vmem>>
    tpu.wait_dma2 semaphore(%dma_wait3A_126 : memref<!tpu.dma_semaphore, #tpu.memory_space<semaphore_mem>>) src(%dma_wait3A_132 : memref<8x1024xf32, #tpu.memory_space<vmem>>) dst(%dma_wait3A_128 : memref<8x1024xf32, #tpu.memory_space<hbm>>)
    %add3A_133 = arith.constant 976 : i32
    %add3A_134 = arith.addi %mul3A_2, %add3A_133 : i32
    %dma_wait3A_135 = arith.constant 2 : i32
    %dma_wait3A_136 = arith.constant 2 : i32
    %dma_wait3A_137 = arith.constant 0 : i32
    %dma_wait3A_138 = arith.constant 0 : i32
    %dma_wait3A_139 = tpu.memref_slice %arg6[%dma_wait3A_135, %dma_wait3A_137, %dma_wait3A_138] : memref<8x8x1024xf32, #tpu.memory_space<vmem>> -> memref<1x8x1024xf32, #tpu.memory_space<vmem>>
    %dma_wait3A_140 = tpu.memref_squeeze %dma_wait3A_139 : memref<1x8x1024xf32, #tpu.memory_space<vmem>> -> memref<8x1024xf32, #tpu.memory_space<vmem>>
    %dma_wait3A_141 = arith.constant 0 : i32
    %dma_wait3A_142 = tpu.memref_slice %arg4[%add3A_134, %dma_wait3A_141] : memref<32768x1024xf32, #tpu.memory_space<hbm>> -> memref<8x1024xf32, #tpu.memory_space<hbm>>
    %dma_wait3A_143 = tpu.memref_slice %arg8[%dma_wait3A_136] : memref<8x!tpu.dma_semaphore, #tpu.memory_space<semaphore_mem>> -> memref<1x!tpu.dma_semaphore, #tpu.memory_space<semaphore_mem>>
    %dma_wait3A_144 = tpu.memref_squeeze %dma_wait3A_143 : memref<1x!tpu.dma_semaphore, #tpu.memory_space<semaphore_mem>> -> memref<!tpu.dma_semaphore, #tpu.memory_space<semaphore_mem>>
    %dma_wait3A_145 = arith.constant 0 : i32
    %dma_wait3A_146 = tpu.memref_slice %arg4[%add3A_134, %dma_wait3A_145] : memref<32768x1024xf32, #tpu.memory_space<hbm>> -> memref<8x1024xf32, #tpu.memory_space<hbm>>
    %dma_wait3A_147 = arith.constant 0 : i32
    %dma_wait3A_148 = arith.constant 0 : i32
    %dma_wait3A_149 = tpu.memref_slice %arg6[%dma_wait3A_135, %dma_wait3A_147, %dma_wait3A_148] : memref<8x8x1024xf32, #tpu.memory_space<vmem>> -> memref<1x8x1024xf32, #tpu.memory_space<vmem>>
    %dma_wait3A_150 = tpu.memref_squeeze %dma_wait3A_149 : memref<1x8x1024xf32, #tpu.memory_space<vmem>> -> memref<8x1024xf32, #tpu.memory_space<vmem>>
    tpu.wait_dma2 semaphore(%dma_wait3A_144 : memref<!tpu.dma_semaphore, #tpu.memory_space<semaphore_mem>>) src(%dma_wait3A_150 : memref<8x1024xf32, #tpu.memory_space<vmem>>) dst(%dma_wait3A_146 : memref<8x1024xf32, #tpu.memory_space<hbm>>)
    %add3A_151 = arith.constant 984 : i32
    %add3A_152 = arith.addi %mul3A_2, %add3A_151 : i32
    %dma_wait3A_153 = arith.constant 3 : i32
    %dma_wait3A_154 = arith.constant 3 : i32
    %dma_wait3A_155 = arith.constant 0 : i32
    %dma_wait3A_156 = arith.constant 0 : i32
    %dma_wait3A_157 = tpu.memref_slice %arg6[%dma_wait3A_153, %dma_wait3A_155, %dma_wait3A_156] : memref<8x8x1024xf32, #tpu.memory_space<vmem>> -> memref<1x8x1024xf32, #tpu.memory_space<vmem>>
    %dma_wait3A_158 = tpu.memref_squeeze %dma_wait3A_157 : memref<1x8x1024xf32, #tpu.memory_space<vmem>> -> memref<8x1024xf32, #tpu.memory_space<vmem>>
    %dma_wait3A_159 = arith.constant 0 : i32
    %dma_wait3A_160 = tpu.memref_slice %arg4[%add3A_152, %dma_wait3A_159] : memref<32768x1024xf32, #tpu.memory_space<hbm>> -> memref<8x1024xf32, #tpu.memory_space<hbm>>
    %dma_wait3A_161 = tpu.memref_slice %arg8[%dma_wait3A_154] : memref<8x!tpu.dma_semaphore, #tpu.memory_space<semaphore_mem>> -> memref<1x!tpu.dma_semaphore, #tpu.memory_space<semaphore_mem>>
    %dma_wait3A_162 = tpu.memref_squeeze %dma_wait3A_161 : memref<1x!tpu.dma_semaphore, #tpu.memory_space<semaphore_mem>> -> memref<!tpu.dma_semaphore, #tpu.memory_space<semaphore_mem>>
    %dma_wait3A_163 = arith.constant 0 : i32
    %dma_wait3A_164 = tpu.memref_slice %arg4[%add3A_152, %dma_wait3A_163] : memref<32768x1024xf32, #tpu.memory_space<hbm>> -> memref<8x1024xf32, #tpu.memory_space<hbm>>
    %dma_wait3A_165 = arith.constant 0 : i32
    %dma_wait3A_166 = arith.constant 0 : i32
    %dma_wait3A_167 = tpu.memref_slice %arg6[%dma_wait3A_153, %dma_wait3A_165, %dma_wait3A_166] : memref<8x8x1024xf32, #tpu.memory_space<vmem>> -> memref<1x8x1024xf32, #tpu.memory_space<vmem>>
    %dma_wait3A_168 = tpu.memref_squeeze %dma_wait3A_167 : memref<1x8x1024xf32, #tpu.memory_space<vmem>> -> memref<8x1024xf32, #tpu.memory_space<vmem>>
    tpu.wait_dma2 semaphore(%dma_wait3A_162 : memref<!tpu.dma_semaphore, #tpu.memory_space<semaphore_mem>>) src(%dma_wait3A_168 : memref<8x1024xf32, #tpu.memory_space<vmem>>) dst(%dma_wait3A_164 : memref<8x1024xf32, #tpu.memory_space<hbm>>)
    %add3A_169 = arith.constant 992 : i32
    %add3A_170 = arith.addi %mul3A_2, %add3A_169 : i32
    %dma_wait3A_171 = arith.constant 4 : i32
    %dma_wait3A_172 = arith.constant 4 : i32
    %dma_wait3A_173 = arith.constant 0 : i32
    %dma_wait3A_174 = arith.constant 0 : i32
    %dma_wait3A_175 = tpu.memref_slice %arg6[%dma_wait3A_171, %dma_wait3A_173, %dma_wait3A_174] : memref<8x8x1024xf32, #tpu.memory_space<vmem>> -> memref<1x8x1024xf32, #tpu.memory_space<vmem>>
    %dma_wait3A_176 = tpu.memref_squeeze %dma_wait3A_175 : memref<1x8x1024xf32, #tpu.memory_space<vmem>> -> memref<8x1024xf32, #tpu.memory_space<vmem>>
    %dma_wait3A_177 = arith.constant 0 : i32
    %dma_wait3A_178 = tpu.memref_slice %arg4[%add3A_170, %dma_wait3A_177] : memref<32768x1024xf32, #tpu.memory_space<hbm>> -> memref<8x1024xf32, #tpu.memory_space<hbm>>
    %dma_wait3A_179 = tpu.memref_slice %arg8[%dma_wait3A_172] : memref<8x!tpu.dma_semaphore, #tpu.memory_space<semaphore_mem>> -> memref<1x!tpu.dma_semaphore, #tpu.memory_space<semaphore_mem>>
    %dma_wait3A_180 = tpu.memref_squeeze %dma_wait3A_179 : memref<1x!tpu.dma_semaphore, #tpu.memory_space<semaphore_mem>> -> memref<!tpu.dma_semaphore, #tpu.memory_space<semaphore_mem>>
    %dma_wait3A_181 = arith.constant 0 : i32
    %dma_wait3A_182 = tpu.memref_slice %arg4[%add3A_170, %dma_wait3A_181] : memref<32768x1024xf32, #tpu.memory_space<hbm>> -> memref<8x1024xf32, #tpu.memory_space<hbm>>
    %dma_wait3A_183 = arith.constant 0 : i32
    %dma_wait3A_184 = arith.constant 0 : i32
    %dma_wait3A_185 = tpu.memref_slice %arg6[%dma_wait3A_171, %dma_wait3A_183, %dma_wait3A_184] : memref<8x8x1024xf32, #tpu.memory_space<vmem>> -> memref<1x8x1024xf32, #tpu.memory_space<vmem>>
    %dma_wait3A_186 = tpu.memref_squeeze %dma_wait3A_185 : memref<1x8x1024xf32, #tpu.memory_space<vmem>> -> memref<8x1024xf32, #tpu.memory_space<vmem>>
    tpu.wait_dma2 semaphore(%dma_wait3A_180 : memref<!tpu.dma_semaphore, #tpu.memory_space<semaphore_mem>>) src(%dma_wait3A_186 : memref<8x1024xf32, #tpu.memory_space<vmem>>) dst(%dma_wait3A_182 : memref<8x1024xf32, #tpu.memory_space<hbm>>)
    %add3A_187 = arith.constant 1000 : i32
    %add3A_188 = arith.addi %mul3A_2, %add3A_187 : i32
    %dma_wait3A_189 = arith.constant 5 : i32
    %dma_wait3A_190 = arith.constant 5 : i32
    %dma_wait3A_191 = arith.constant 0 : i32
    %dma_wait3A_192 = arith.constant 0 : i32
    %dma_wait3A_193 = tpu.memref_slice %arg6[%dma_wait3A_189, %dma_wait3A_191, %dma_wait3A_192] : memref<8x8x1024xf32, #tpu.memory_space<vmem>> -> memref<1x8x1024xf32, #tpu.memory_space<vmem>>
    %dma_wait3A_194 = tpu.memref_squeeze %dma_wait3A_193 : memref<1x8x1024xf32, #tpu.memory_space<vmem>> -> memref<8x1024xf32, #tpu.memory_space<vmem>>
    %dma_wait3A_195 = arith.constant 0 : i32
    %dma_wait3A_196 = tpu.memref_slice %arg4[%add3A_188, %dma_wait3A_195] : memref<32768x1024xf32, #tpu.memory_space<hbm>> -> memref<8x1024xf32, #tpu.memory_space<hbm>>
    %dma_wait3A_197 = tpu.memref_slice %arg8[%dma_wait3A_190] : memref<8x!tpu.dma_semaphore, #tpu.memory_space<semaphore_mem>> -> memref<1x!tpu.dma_semaphore, #tpu.memory_space<semaphore_mem>>
    %dma_wait3A_198 = tpu.memref_squeeze %dma_wait3A_197 : memref<1x!tpu.dma_semaphore, #tpu.memory_space<semaphore_mem>> -> memref<!tpu.dma_semaphore, #tpu.memory_space<semaphore_mem>>
    %dma_wait3A_199 = arith.constant 0 : i32
    %dma_wait3A_200 = tpu.memref_slice %arg4[%add3A_188, %dma_wait3A_199] : memref<32768x1024xf32, #tpu.memory_space<hbm>> -> memref<8x1024xf32, #tpu.memory_space<hbm>>
    %dma_wait3A_201 = arith.constant 0 : i32
    %dma_wait3A_202 = arith.constant 0 : i32
    %dma_wait3A_203 = tpu.memref_slice %arg6[%dma_wait3A_189, %dma_wait3A_201, %dma_wait3A_202] : memref<8x8x1024xf32, #tpu.memory_space<vmem>> -> memref<1x8x1024xf32, #tpu.memory_space<vmem>>
    %dma_wait3A_204 = tpu.memref_squeeze %dma_wait3A_203 : memref<1x8x1024xf32, #tpu.memory_space<vmem>> -> memref<8x1024xf32, #tpu.memory_space<vmem>>
    tpu.wait_dma2 semaphore(%dma_wait3A_198 : memref<!tpu.dma_semaphore, #tpu.memory_space<semaphore_mem>>) src(%dma_wait3A_204 : memref<8x1024xf32, #tpu.memory_space<vmem>>) dst(%dma_wait3A_200 : memref<8x1024xf32, #tpu.memory_space<hbm>>)
    %add3A_205 = arith.constant 1008 : i32
    %add3A_206 = arith.addi %mul3A_2, %add3A_205 : i32
    %dma_wait3A_207 = arith.constant 6 : i32
    %dma_wait3A_208 = arith.constant 6 : i32
    %dma_wait3A_209 = arith.constant 0 : i32
    %dma_wait3A_210 = arith.constant 0 : i32
    %dma_wait3A_211 = tpu.memref_slice %arg6[%dma_wait3A_207, %dma_wait3A_209, %dma_wait3A_210] : memref<8x8x1024xf32, #tpu.memory_space<vmem>> -> memref<1x8x1024xf32, #tpu.memory_space<vmem>>
    %dma_wait3A_212 = tpu.memref_squeeze %dma_wait3A_211 : memref<1x8x1024xf32, #tpu.memory_space<vmem>> -> memref<8x1024xf32, #tpu.memory_space<vmem>>
    %dma_wait3A_213 = arith.constant 0 : i32
    %dma_wait3A_214 = tpu.memref_slice %arg4[%add3A_206, %dma_wait3A_213] : memref<32768x1024xf32, #tpu.memory_space<hbm>> -> memref<8x1024xf32, #tpu.memory_space<hbm>>
    %dma_wait3A_215 = tpu.memref_slice %arg8[%dma_wait3A_208] : memref<8x!tpu.dma_semaphore, #tpu.memory_space<semaphore_mem>> -> memref<1x!tpu.dma_semaphore, #tpu.memory_space<semaphore_mem>>
    %dma_wait3A_216 = tpu.memref_squeeze %dma_wait3A_215 : memref<1x!tpu.dma_semaphore, #tpu.memory_space<semaphore_mem>> -> memref<!tpu.dma_semaphore, #tpu.memory_space<semaphore_mem>>
    %dma_wait3A_217 = arith.constant 0 : i32
    %dma_wait3A_218 = tpu.memref_slice %arg4[%add3A_206, %dma_wait3A_217] : memref<32768x1024xf32, #tpu.memory_space<hbm>> -> memref<8x1024xf32, #tpu.memory_space<hbm>>
    %dma_wait3A_219 = arith.constant 0 : i32
    %dma_wait3A_220 = arith.constant 0 : i32
    %dma_wait3A_221 = tpu.memref_slice %arg6[%dma_wait3A_207, %dma_wait3A_219, %dma_wait3A_220] : memref<8x8x1024xf32, #tpu.memory_space<vmem>> -> memref<1x8x1024xf32, #tpu.memory_space<vmem>>
    %dma_wait3A_222 = tpu.memref_squeeze %dma_wait3A_221 : memref<1x8x1024xf32, #tpu.memory_space<vmem>> -> memref<8x1024xf32, #tpu.memory_space<vmem>>
    tpu.wait_dma2 semaphore(%dma_wait3A_216 : memref<!tpu.dma_semaphore, #tpu.memory_space<semaphore_mem>>) src(%dma_wait3A_222 : memref<8x1024xf32, #tpu.memory_space<vmem>>) dst(%dma_wait3A_218 : memref<8x1024xf32, #tpu.memory_space<hbm>>)
    %add3A_223 = arith.constant 1016 : i32
    %add3A_224 = arith.addi %mul3A_2, %add3A_223 : i32
    %dma_wait3A_225 = arith.constant 7 : i32
    %dma_wait3A_226 = arith.constant 7 : i32
    %dma_wait3A_227 = arith.constant 0 : i32
    %dma_wait3A_228 = arith.constant 0 : i32
    %dma_wait3A_229 = tpu.memref_slice %arg6[%dma_wait3A_225, %dma_wait3A_227, %dma_wait3A_228] : memref<8x8x1024xf32, #tpu.memory_space<vmem>> -> memref<1x8x1024xf32, #tpu.memory_space<vmem>>
    %dma_wait3A_230 = tpu.memref_squeeze %dma_wait3A_229 : memref<1x8x1024xf32, #tpu.memory_space<vmem>> -> memref<8x1024xf32, #tpu.memory_space<vmem>>
    %dma_wait3A_231 = arith.constant 0 : i32
    %dma_wait3A_232 = tpu.memref_slice %arg4[%add3A_224, %dma_wait3A_231] : memref<32768x1024xf32, #tpu.memory_space<hbm>> -> memref<8x1024xf32, #tpu.memory_space<hbm>>
    %dma_wait3A_233 = tpu.memref_slice %arg8[%dma_wait3A_226] : memref<8x!tpu.dma_semaphore, #tpu.memory_space<semaphore_mem>> -> memref<1x!tpu.dma_semaphore, #tpu.memory_space<semaphore_mem>>
    %dma_wait3A_234 = tpu.memref_squeeze %dma_wait3A_233 : memref<1x!tpu.dma_semaphore, #tpu.memory_space<semaphore_mem>> -> memref<!tpu.dma_semaphore, #tpu.memory_space<semaphore_mem>>
    %dma_wait3A_235 = arith.constant 0 : i32
    %dma_wait3A_236 = tpu.memref_slice %arg4[%add3A_224, %dma_wait3A_235] : memref<32768x1024xf32, #tpu.memory_space<hbm>> -> memref<8x1024xf32, #tpu.memory_space<hbm>>
    %dma_wait3A_237 = arith.constant 0 : i32
    %dma_wait3A_238 = arith.constant 0 : i32
    %dma_wait3A_239 = tpu.memref_slice %arg6[%dma_wait3A_225, %dma_wait3A_237, %dma_wait3A_238] : memref<8x8x1024xf32, #tpu.memory_space<vmem>> -> memref<1x8x1024xf32, #tpu.memory_space<vmem>>
    %dma_wait3A_240 = tpu.memref_squeeze %dma_wait3A_239 : memref<1x8x1024xf32, #tpu.memory_space<vmem>> -> memref<8x1024xf32, #tpu.memory_space<vmem>>
    tpu.wait_dma2 semaphore(%dma_wait3A_234 : memref<!tpu.dma_semaphore, #tpu.memory_space<semaphore_mem>>) src(%dma_wait3A_240 : memref<8x1024xf32, #tpu.memory_space<vmem>>) dst(%dma_wait3A_236 : memref<8x1024xf32, #tpu.memory_space<hbm>>)
    return
  }
}

</mosaic_0001>

<sc_bundles>
// kernel: kernel.3.cloned.1.call-start
scs
__scs_entry_jumppad:
0x0: {  	(pc) =	sbr.rel $0x88, $3  }
0x1: {  	(tag) =	ssettag $0x0;
	lr =	simm.s32 $0x1  }
0x2: {  	[smem:$0x3F9F] =	sst lr;
	_ =	strace $0xD0000000  }
0x3: {  	_ = 	snop  }
0x4: {  	_ = 	snop  }
0x5: {  	_ = 	snop  }
0x6: {  	_ = 	snop  }
0x7: {  	_ = 	snop  }
__scs_overlays_trampoline_lowered:
0x8: {  	[smem:$0x3FAE] =	sst s0  }
0x9: {  	[smem:$0x3FAF] =	sst s1  }
0xa: {  	[smem:$0x3FB0] =	sst s2  }
0xb: {  	[smem:$0x3FB1] =	sst s3  }
0xc: {  	[smem:$0x3FB2] =	sst s4  }
0xd: {  	[smem:$0x3FB3] =	sst s5  }
0xe: {  	[smem:$0x3FB4] =	sst s6  }
0xf: {  	[smem:$0x3FB5] =	sst s7  }
0x10: {  	[smem:$0x3FB6] =	sst s8  }
0x11: {  	[smem:$0x3FB7] =	sst s9;
	s0 =	simm.s32 @!p0 $0x0  }
0x12: {  	s1 =	sld [smem:$0x3F9D];
	s0 =	simm.s32 @p0 $0x1  }
0x13: {  	[smem:$0x3FB8] =	sst s0;
	s0 =	simm.s32 @!p1 $0x0  }
0x14: {  	s2 =	sld [smem:$0x3F9C];
	s0 =	simm.s32 @p1 $0x1  }
0x15: {  	[smem:$0x3FB9] =	sst s0;
	s0 =	simm.s32 @!p2 $0x0  }
0x16: {  	s3 =	sld [smem:$0x3FDB];
	s0 =	simm.s32 @p2 $0x1  }
0x17: {  	s4 =	simm.s32 $0x1BF5;
	[smem:$0x3FBB] =	sst s0  }
0x18: {  	s0 =	sld [smem:$0x3F9E];
	_ =	swait.ge [sflag:s4], $0x0  }
0x19: {  	s7 =	sld [smem:$0x3F9F]  }
0x1a: {  	s8 =	sadd.s32 $0xFFFFE003, lr  }
0x1b: {  	s9 =	sadd.s32 $0xFFFFFEF7, lr;
	s5 =	simm.s32 $0xFFFFFFFF;
	p2 =	slt.u32 s8, $0xFFFFF086  }
0x1c: {  	p1 =	slt.u32 s9, $0xF7A;
	s5 =	simm.s32 @!p2 $0x0  }
0x1d: {  	s5 =	simm.s32 @p1 $0x1;
	p0 =	seq.s32 s7, s2  }
0x1e: {  	s7 =	smul.u32 @!p0 $0xF7A, s2;
	p2 =	seq.s32 @!p0 s5, $0x0  }
0x1f: {  	s9 =	smul.u32 $0xF7A, s1;
	s8 =	simm.s32 @!p0 $0x1BF5;
	p2 =	por !p2, p0  }
0x20: {  	[sflag:s8] =	ssyncset.s32 @!p0 $0xFFFFF086;
	s6 =	sadd.s32 @!p0 s3, s7;
	s7 =	simm.s32 @!p0 $0x108  }
0x21: {  	s3 =	sadd.s32 s3, s9;
	s6 =	sadd.s32 @!p0 $0x88, s6;
	s7 =	simm.s32 @p2 $0x1082  }
0x22: {  	[simem:s7], [sflag:s8] =	dma.local @!p0 [hbm:s6], $0xF7A  }
0x23: {  	s9 =	sor.u32 $0xD0000000, s2;
	s6 =	simm.s32 $0x108;
	_ =	swait.ge @!p0 [sflag:s8], $0x0  }
0x24: {  	s3 =	sadd.s32 $0x88, s3;
	s6 =	simm.s32 @!p1 $0x1082;
	[sflag:s4] =	ssyncset.s32 $0xFFFFF086  }
0x25: {  	[simem:s6], [sflag:s4] =	dma.local [hbm:s3], $0xF7A  }
0x26: {  	[smem:$0x3F9F] =	sst s1;
	(tag) =	ssettag s2;
	_ =	strace s9  }
0x27: {  	s1 =	sld [smem:$0x3FAF]  }
0x28: {  	s2 =	sld [smem:$0x3FB0]  }
0x29: {  	s4 =	sld [smem:$0x3FB2]  }
0x2a: {  	p0 =	seq.s32 s5, $0x0;
	s5 =	sld [smem:$0x3FB3]  }
0x2b: {  	s6 =	sld [smem:$0x3FB4]  }
0x2c: {  	s7 =	sld [smem:$0x3FB5]  }
0x2d: {  	s3 =	simm.s32 $0x108;
	s8 =	sld [smem:$0x3FB6]  }
0x2e: {  	s3 =	simm.s32 @!p0 $0x1082;
	s9 =	sld [smem:$0x3FB7]  }
0x2f: {  	lr =	sadd.s32 s0, s3;
	s0 =	sld [smem:$0x3FAE]  }
0x30: {  	s3 =	sld [smem:$0x3FB1]  }
0x31: {  	[smem:$0x3FBA] =	sst s10  }
0x32: {  	s10 =	sld [smem:$0x3FB8];
	_ =	sdelay $0x3  }
0x33: {  	p0 =	seq.s32 s10, $0x1;
	s10 =	sld [smem:$0x3FBA];
	_ =	sdelay $0x3  }
0x34: {  	[smem:$0x3FBA] =	sst s10  }
0x35: {  	s10 =	sld [smem:$0x3FB9];
	_ =	sdelay $0x3  }
0x36: {  	p1 =	seq.s32 s10, $0x1;
	s10 =	sld [smem:$0x3FBA];
	_ =	sdelay $0x3  }
0x37: {  	[smem:$0x3FBA] =	sst s10  }
0x38: {  	s10 =	sld [smem:$0x3FBB]  }
0x39: {  	_ = 	snop;
	(pc) =	sbr.ind lr, $3  }
0x3a: {  	_ = 	snop  }
0x3b: {  	_ = 	snop  }
0x3c: {  	p2 =	seq.s32 s10, $0x1;
	s10 =	sld [smem:$0x3FBA]  }
0x3d: {  	_ =	shalt  }
0x3e: {  	_ =	shalt  }
0x3f: {  	_ =	shalt  }
0x40: {  	_ =	shalt  }
0x41: {  	_ =	shalt  }
0x42: {  	_ =	shalt  }
0x43: {  	_ =	shalt  }
0x44: {  	_ =	shalt  }
0x45: {  	_ =	shalt  }
0x46: {  	_ =	shalt  }
0x47: {  	_ =	shalt  }
0x48: {  	_ =	shalt  }
0x49: {  	_ =	shalt  }
0x4a: {  	_ =	shalt  }
0x4b: {  	_ =	shalt  }
0x4c: {  	_ =	shalt  }
0x4d: {  	_ =	shalt  }
0x4e: {  	_ =	shalt  }
0x4f: {  	_ =	shalt  }
0x50: {  	_ =	shalt  }
0x51: {  	_ =	shalt  }
0x52: {  	_ =	shalt  }
0x53: {  	_ =	shalt  }
0x54: {  	_ =	shalt  }
0x55: {  	_ =	shalt  }
0x56: {  	_ =	shalt  }
0x57: {  	_ =	shalt  }
0x58: {  	_ =	shalt  }
0x59: {  	_ =	shalt  }
0x5a: {  	_ =	shalt  }
0x5b: {  	_ =	shalt  }
0x5c: {  	_ =	shalt  }
0x5d: {  	_ =	shalt  }
0x5e: {  	_ =	shalt  }
0x5f: {  	_ =	shalt  }
0x60: {  	_ =	shalt  }
0x61: {  	_ =	shalt  }
0x62: {  	_ =	shalt  }
0x63: {  	_ =	shalt  }
0x64: {  	_ =	shalt  }
0x65: {  	_ =	shalt  }
0x66: {  	_ =	shalt  }
0x67: {  	_ =	shalt  }
0x68: {  	_ =	shalt  }
0x69: {  	_ =	shalt  }
0x6a: {  	_ =	shalt  }
0x6b: {  	_ =	shalt  }
0x6c: {  	_ =	shalt  }
0x6d: {  	_ =	shalt  }
0x6e: {  	_ =	shalt  }
0x6f: {  	_ =	shalt  }
0x70: {  	_ =	shalt  }
0x71: {  	_ =	shalt  }
0x72: {  	_ =	shalt  }
0x73: {  	_ =	shalt  }
0x74: {  	_ =	shalt  }
0x75: {  	_ =	shalt  }
0x76: {  	_ =	shalt  }
0x77: {  	_ =	shalt  }
0x78: {  	_ =	shalt  }
0x79: {  	_ =	shalt  }
0x7a: {  	_ =	shalt  }
0x7b: {  	_ =	shalt  }
0x7c: {  	_ =	shalt  }
0x7d: {  	_ =	shalt  }
0x7e: {  	_ =	shalt  }
0x7f: {  	_ =	shalt  }
0x80: {  	_ =	shalt  }
0x81: {  	_ =	shalt  }
0x82: {  	_ =	shalt  }
0x83: {  	_ =	shalt  }
0x84: {  	_ =	shalt  }
0x85: {  	_ =	shalt  }
0x86: {  	_ =	shalt  }
0x87: {  	_ =	shalt  }
.Lfunc_end0:
.L_simem_size_0:
called_computation_lowered:
.L_overlay_start_0:
0x88: {  	s2 =	sld [smem:$0x3FD9]  }
0x89: {  	s3 =	sld [smem:$0x3FFE];
	_ =	sdelay $0x1  }
0x8a: {  	s1 =	srdreg.scid  }
0x8b: {  	s0 =	sand.u32 $0x1, s1  }
0x8c: {  	s17 =	sshll.u32 s0, $0xA;
	s2 =	sadd.s32 s3, s2  }
0x8d: {  	s2 =	sadd.s32 s2, s17  }
0x8e: {  	[smem:$0x3FC6] =	sst s2  }
0x8f: {  	_ = 	snop  }
0x90: {  	s2 =	sld [smem:$0x3FC8]  }
0x91: {  	s18 =	sld [smem:$0x3FD0];
	(tm) =	ssettm $0x1  }
0x92: {  	s4 =	sld [smem:$0x3FFB];
	_ =	sdelay $0x3  }
0x93: {  	_ =	strace s4  }
0x94: {  	s4 =	sld [smem:$0x3FFC];
	_ =	sdelay $0x3  }
0x95: {  	_ =	strace s4  }
0x96: {  	s4 =	sld [smem:$0x3FFD];
	_ =	sdelay $0x3  }
0x97: {  	_ =	strace s4  }
0x98: {  	_ =	strace $0x8FFFFFFF  }
0x99: {  	s19 =	sld [smem:$0x3FDB];
	_ =	sdelay $0x1  }
0x9a: {  	s5 =	simm.s32 $_scs_section_size  }
0x9b: {  	s6 =	simm.s32 $_size__tile_overlayer_lowered;
	s7 =	simm.s32 $_tile_overlayer_lowered  }
0x9c: {  	s22 =	simm.s32 $0x1BFF;
	s21 =	sshll.u32 s7, $0x1;
	s4 =	sadd.s32 s5, s19  }
0x9d: {  	s8 =	simm.s32 $0x0;
	s20 =	sshll.u32 s6, $0x1;
	s6 =	sadd.s32 s21, s4  }
0x9e: {  	[timem:s8], [sflag:s22] =	dma.local [hbm:s6], s20  }
0x9f: {  	_ =	swait.ge [sflag:s22], s20  }
0xa0: {  	s5 =	ssub.s32 $0x0, s20;
	[sflag:s22] =	ssyncset.done $0x0  }
0xa1: {  	[sflag:s22] =	ssyncadd.s32 s5;
	_ =	sdelay $0x1  }
0xa2: {  	s23 =	simm.s32 $0x1B8B  }
0xa3: {  	_ =	swait.ge [sflag:s23], $0x1  }
0xa4: {  	[sflag:s23] =	ssyncset.done $0x0  }
0xa5: {  	s25 =	simm.s32 $0x1B8E;
	s24 =	sld [smem:$0x3FFE];
	[sflag:s23] =	ssyncadd.s32 $0xFFFFFFFF  }
0xa6: {  	s26 =	simm.s32 $execute0_lowered;
	[smem:$0x3FD2] =	sst s25  }
0xa7: {  	s6 =	sshll.u32 s26, $0x1;
	_ =	strace $0x80000046;
	[dreg:$0x1] =	wrdreg $0xFFFFFFFF  }
0xa8: {  	s28 =	simm.s32 $_size_execute0_lowered;
	s4 =	sadd.s32 s4, s6;
	[dreg:$0x0] =	wrdreg $0x0  }
0xa9: {  	s6 =	sshll.u32 s28, $0x1;
	[dreg:$0x2] =	wrdreg s4  }
0xaa: {  	[dreg:$0x3] =	wrdreg s6  }
0xab: {  	[dreg:$0x4] =	wrdreg $0xC0  }
0xac: {  	_ =	task [dreg:s8], $0x5FFFF  }
0xad: {  	[dreg:$0x1] =	wrdreg $0xFFFFFFFF  }
0xae: {  	[dreg:$0x0] =	wrdreg $0x60  }
0xaf: {  	[dreg:$0x2] =	wrdreg s24  }
0xb0: {  	[dreg:$0x3] =	wrdreg s2  }
0xb1: {  	[dreg:$0x4] =	wrdreg s18  }
0xb2: {  	[dreg:$0x5] =	wrdreg $0x9  }
0xb3: {  	_ =	task.clear_ibuf [dreg:s8], $0x6FFFF;
	_ =	strace $0x90000046  }
0xb4: {  	s29 =	simm.s32 $0x9;
	_ =	strace $0x80000048  }
0xb5: {  	_ =	swait.ge [sflag:s29], $0x1  }
0xb6: {  	[sflag:s29] =	ssyncadd.s32 $0xFFFFFFFF  }
0xb7: {  	_ =	strace $0x90000048  }
0xb8: {  	_ =	sfence  }
0xb9: {  	s30 =	sld [smem:$0x0];
	_ =	sdelay $0x2  }
0xba: {  	s31 =	sshll.u32 s1, $0xD;
	s1 =	sshrl.u32 s1, $0x2  }
0xbb: {  	s3 =	sand.u32 $0x4000, s31;
	s1 =	sadd.s32 s1, s30  }
0xbc: {  	s0 =	sor.u32 s3, s0;
	s1 =	sshll.u32 s1, $0x11  }
0xbd: {  	s0 =	sor.u32 s1, s0  }
0xbe: {  	s0 =	sadd.s32 $0x8F2B, s0  }
0xbf: {  	[sflag:s0] =	ssyncadd.remote.s32 $0x1  }
0xc0: {  	_ =	sfence.sel $0xFFFF  }
0xc1: {  	[dreg:$0x0] =	wrdreg $0xFFFFFFFF;
	(pc) =	sbr.abs _section_cstart, $3  }
0xc2: {  	[dreg:$0x1] =	wrdreg $0xFFFFFFFF  }
0xc3: {  	_ =	task.clear_ibuf [dreg:s8], $0x2FFFF;
	_ =	strace $0x9FFFFFFF  }
0xc4: {  	(tm) =	ssettm $0x7FFFFFFF  }
0xc5: {  	_ =	shalt  }
tec
execute0_lowered:
.L_overlay_start_1:
0x0: {  	(tag) =	ssettag $0x1  }
0x1: {  	s0 =	rddreg [dreg:$0x0]  }
0x2: {  	s1 =	srdreg.scid;
	s2 =	rddreg [dreg:$0x1]  }
0x3: {  	s10 =	stileid.u32;
	s4 =	rddreg [dreg:$0x2]  }
0x4: {  	s3 =	simm.s32 $0x0;
	s29 =	simm.s32 $0x8400;
	s17 =	simm.s32 $0xC400  }
0x5: {  	s19 =	simm.s32 $0xD400;
	s28 =	simm.s32 $0xFC00;
	s30 =	simm.s32 $0x2  }
0x6: {  	s31 =	simm.s32 $0x3;
	s11 =	simm.s32 $0x8;
	s12 =	simm.s32 $0xE  }
0x7: {  	s16 =	simm.s32 $0xF;
	s15 =	simm.s32 $0x0;
	s1 =	sand.u32 $0x1, s1  }
0x8: {  	s5 =	sshll.u32 s10, $0xB;
	[smem:$0x7FF] =	sst s3;
	s7 =	sadd.s32 $0x300, s2  }
0x9: {  	s25 =	sshll.u32 s10, $0x12;
	s6 =	sshll.u32 s1, $0xA;
	s21 =	ssub.s32 $0x2, s1  }
0xa: {  	_ =	strace $0x80000047;
	s26 =	sadd.s32 s25, s4;
	s1 =	sshll.u32 s1, $0x11  }
0xb: {  	s25 =	simm.s32 $0xEC00;
	s8 =	sor.u32 s6, s5;
	s22 =	sshrl.u32 s21, $0x1  }
0xc: {  	s6 =	sadd.s32 $0x200, s2;
	s10 =	sadd.s32 s1, s26;
	s26 =	simm.s32 $0xF400  }
0xd: {  	s1 =	simm.s32 $0x4;
	s5 =	sshrl.u32 s8, $0x3;
	s9 =	ssub.s32 s21, s22  }
0xe: {  	s23 =	sshll.u32 s8, $0x7;
	s21 =	simm.s32 $0xDC00;
	s22 =	simm.s32 $0x1  }
.Ltmp0:
0xf: {  	s8 =	simm.s32 $0x6;
	s0 =	sadd.s32 s5, s0;
	(pc) =	sbr.rel .LBB2_1-.Ltmp0, $4  }
0x10: {  	s5 =	sadd.s32 $0x100, s2;
	s24 =	smax.u32 s9, $0x1;
	s0 =	sadd.s32 $0x400, s0  }
0x11: {  	v0 =	vlaneseq.u32;
	s9 =	simm.s32 $0x7;
	[dreg:$0x4] =	wrdreg s0;
	s0 =	sadd.s32 s23, s4  }
0x12: {  	v1 =	vshrl.u32 v0, $0x3;
	[dreg:$0x5] =	wrdreg s24;
	s23 =	simm.s32 $0xE400;
	s0 =	sadd.s32 $0x1FC00, s0  }
0x13: {  	vm0 =	vmmov $0xffff;
	v0 =	vand.u32 $0x7, v0;
	v1 =	vmul.u32 $0x8, v1;
	s4 =	simm.s32 $0x5;
	[dreg:$0x6] =	wrdreg s0;
	s0 =	simm.s32 $0xA400  }
.LBB2_4:
0x14: {  	_ =	swait.ge [sflag:s11], $0x2000  }
0x15: {  	[sflag:s11] =	ssyncset.done $0x0  }
0x16: {  	s24 =	simm.s32 $0x9;
	s13 =	rddreg [dreg:$0x6];
	[sflag:s11] =	ssyncadd.s32 $0xFFFFE000  }
0x17: {  	[hbm4b:s13+s3] =	stream.linear.scatter [tilespmem:s23], [sflag:$0x10], $0x2000, $0x38;
	[tilespmem:$0x10400] =	vst v63  }
0x18: {  	_ =	swait.ge [sflag:s24], $0x2000  }
0x19: {  	[sflag:s24] =	ssyncset.done $0x0  }
0x1a: {  	s14 =	simm.s32 $0xA;
	[sflag:s24] =	ssyncadd.s32 $0xFFFFE000  }
0x1b: {  	_ =	swait.ge [sflag:s14], $0x2000  }
0x1c: {  	[sflag:s14] =	ssyncset.done $0x0  }
0x1d: {  	s15 =	simm.s32 $0xB;
	[sflag:s14] =	ssyncadd.s32 $0xFFFFE000  }
0x1e: {  	_ =	swait.ge [sflag:s15], $0x2000  }
0x1f: {  	[sflag:s15] =	ssyncset.done $0x0  }
0x20: {  	s18 =	simm.s32 $0xC;
	[sflag:s15] =	ssyncadd.s32 $0xFFFFE000  }
0x21: {  	_ =	swait.ge [sflag:s18], $0x2000  }
0x22: {  	[sflag:s18] =	ssyncset.done $0x0  }
0x23: {  	s20 =	simm.s32 $0xD;
	[sflag:s18] =	ssyncadd.s32 $0xFFFFE000  }
0x24: {  	_ =	swait.ge [sflag:s20], $0x2000  }
0x25: {  	[sflag:s20] =	ssyncset.done $0x0  }
0x26: {  	[sflag:s20] =	ssyncadd.s32 $0xFFFFE000  }
0x27: {  	_ =	swait.ge [sflag:s12], $0x2000  }
0x28: {  	[sflag:s12] =	ssyncset.done $0x0  }
0x29: {  	[sflag:s12] =	ssyncadd.s32 $0xFFFFE000  }
0x2a: {  	_ =	swait.ge [sflag:s16], $0x2000  }
0x2b: {  	[sflag:s16] =	ssyncset.done $0x0  }
0x2c: {  	s14 =	simm.s32 $0x10;
	[sflag:s16] =	ssyncadd.s32 $0xFFFFE000  }
0x2d: {  	_ =	swait.ge [sflag:s14], $0x2000  }
0x2e: {  	s15 =	rddreg [dreg:$0x7]  }
0x2f: {  	s24 =	rddreg [dreg:$0x5];
	s15 =	sadd.s32 $0x1, s15  }
0x30: {  	p0 =	sne.s32 s15, s24  }
.Ltmp1:
0x31: {  	_ = 	snop;
	(pc) =	sbr.rel @!p0 .LBB2_5-.Ltmp1, $3  }
0x32: {  	_ =	sdelay $0x1  }
0x33: {  	[sflag:s14] =	ssyncset.done $0x0  }
0x34: {  	[sflag:s14] =	ssyncadd.s32 $0xFFFFE000  }
.LBB2_1:
0x35: {  	[dreg:$0x7] =	wrdreg s15  }
0x36: {  	s13 =	rddreg [dreg:$0x4];
	s15 =	simm.s32 $0x11  }
0x37: {  	[tilespmem:s3], [sflag:$0x11] =	stream.linear.gather [hbm4b:s13+s3], $0x400, $0x38;
	[tilespmem:$0x10400] =	vst v63  }
0x38: {  	_ =	swait.ge [sflag:s15], $0x400  }
0x39: {  	[sflag:s15] =	ssyncset.done $0x0  }
0x3a: {  	[sflag:s15] =	ssyncadd.s32 $0xFFFFFC00  }
0x3b: {  	v2 =	vld.msk [tilespmem:$0x0], $0xff;
	_ =	sdelay $0x4  }
0x3c: {  	v3 =	vshll.u32 v2, $0x3  }
0x3d: {  	v2 =	vand.u32 $0x7, v2;
	v3 =	vand.u32 $0xFFFFFFC0, v3  }
0x3e: {  	v2 =	vor.u32 v2, v3  }
0x3f: {  	v2 =	vperm.xlane v2, v0;
	_ =	sdelay $0x1  }
0x40: {  	v2 =	vadd.s32 v1, v2;
	_ =	sdelay $0x3  }
0x41: {  	s18 =	simm.s32 $0x400  }
0x42: {  	[tilespmem:s18], [sflag:$0x1] =	stream.indirect_vreg.gather [hbm4b:s2+s3], $0x80, v2, vm0, $0xb8;
	[tilespmem:$0x10400] =	vst v63  }
0x43: {  	s20 =	simm.s32 $0xC00  }
0x44: {  	[tilespmem:s20], [sflag:$0x1] =	stream.indirect_vreg.gather [hbm4b:s5+s3], $0x80, v2, vm0, $0xb8;
	[tilespmem:$0x10400] =	vst v63  }
0x45: {  	s24 =	simm.s32 $0x1400  }
0x46: {  	[tilespmem:s24], [sflag:$0x1] =	stream.indirect_vreg.gather [hbm4b:s6+s3], $0x80, v2, vm0, $0xb8;
	[tilespmem:$0x10400] =	vst v63  }
0x47: {  	s14 =	simm.s32 $0x1C00  }
0x48: {  	[tilespmem:s14], [sflag:$0x1] =	stream.indirect_vreg.gather [hbm4b:s7+s3], $0x80, v2, vm0, $0xb8;
	[tilespmem:$0x10400] =	vst v63  }
0x49: {  	v2 =	vld.msk [tilespmem:$0x8], $0xff;
	_ =	sdelay $0x4  }
0x4a: {  	v3 =	vshll.u32 v2, $0x3  }
0x4b: {  	v2 =	vand.u32 $0x7, v2;
	v3 =	vand.u32 $0xFFFFFFC0, v3  }
0x4c: {  	v2 =	vor.u32 v2, v3  }
0x4d: {  	v2 =	vperm.xlane v2, v0;
	_ =	sdelay $0x1  }
0x4e: {  	v2 =	vadd.s32 v1, v2;
	_ =	sdelay $0x3  }
0x4f: {  	s15 =	simm.s32 $0x2400  }
0x50: {  	[tilespmem:s15], [sflag:$0x2] =	stream.indirect_vreg.gather [hbm4b:s2+s3], $0x80, v2, vm0, $0xb8;
	[tilespmem:$0x10400] =	vst v63  }
0x51: {  	s18 =	simm.s32 $0x2C00  }
0x52: {  	[tilespmem:s18], [sflag:$0x2] =	stream.indirect_vreg.gather [hbm4b:s5+s3], $0x80, v2, vm0, $0xb8;
	[tilespmem:$0x10400] =	vst v63  }
0x53: {  	s20 =	simm.s32 $0x3400  }
0x54: {  	[tilespmem:s20], [sflag:$0x2] =	stream.indirect_vreg.gather [hbm4b:s6+s3], $0x80, v2, vm0, $0xb8;
	[tilespmem:$0x10400] =	vst v63  }
0x55: {  	s24 =	simm.s32 $0x3C00  }
0x56: {  	[tilespmem:s24], [sflag:$0x2] =	stream.indirect_vreg.gather [hbm4b:s7+s3], $0x80, v2, vm0, $0xb8;
	[tilespmem:$0x10400] =	vst v63  }
0x57: {  	v2 =	vld.msk [tilespmem:$0x10], $0xff;
	_ =	sdelay $0x4  }
0x58: {  	v3 =	vshll.u32 v2, $0x3  }
0x59: {  	v2 =	vand.u32 $0x7, v2;
	v3 =	vand.u32 $0xFFFFFFC0, v3  }
0x5a: {  	v2 =	vor.u32 v2, v3  }
0x5b: {  	v2 =	vperm.xlane v2, v0;
	_ =	sdelay $0x1  }
0x5c: {  	v2 =	vadd.s32 v1, v2;
	_ =	sdelay $0x3  }
0x5d: {  	s14 =	simm.s32 $0x4400  }
0x5e: {  	[tilespmem:s14], [sflag:$0x3] =	stream.indirect_vreg.gather [hbm4b:s2+s3], $0x80, v2, vm0, $0xb8;
	[tilespmem:$0x10400] =	vst v63  }
0x5f: {  	s15 =	simm.s32 $0x4C00  }
0x60: {  	[tilespmem:s15], [sflag:$0x3] =	stream.indirect_vreg.gather [hbm4b:s5+s3], $0x80, v2, vm0, $0xb8;
	[tilespmem:$0x10400] =	vst v63  }
0x61: {  	s18 =	simm.s32 $0x5400  }
0x62: {  	[tilespmem:s18], [sflag:$0x3] =	stream.indirect_vreg.gather [hbm4b:s6+s3], $0x80, v2, vm0, $0xb8;
	[tilespmem:$0x10400] =	vst v63  }
0x63: {  	s20 =	simm.s32 $0x5C00  }
0x64: {  	[tilespmem:s20], [sflag:$0x3] =	stream.indirect_vreg.gather [hbm4b:s7+s3], $0x80, v2, vm0, $0xb8;
	[tilespmem:$0x10400] =	vst v63  }
0x65: {  	v2 =	vld.msk [tilespmem:$0x18], $0xff;
	_ =	sdelay $0x4  }
0x66: {  	v3 =	vshll.u32 v2, $0x3  }
0x67: {  	v2 =	vand.u32 $0x7, v2;
	v3 =	vand.u32 $0xFFFFFFC0, v3  }
0x68: {  	v2 =	vor.u32 v2, v3  }
0x69: {  	v2 =	vperm.xlane v2, v0;
	_ =	sdelay $0x1  }
0x6a: {  	v2 =	vadd.s32 v1, v2;
	_ =	sdelay $0x3  }
0x6b: {  	s24 =	simm.s32 $0x6400  }
0x6c: {  	[tilespmem:s24], [sflag:$0x4] =	stream.indirect_vreg.gather [hbm4b:s2+s3], $0x80, v2, vm0, $0xb8;
	[tilespmem:$0x10400] =	vst v63  }
0x6d: {  	s14 =	simm.s32 $0x6C00  }
0x6e: {  	[tilespmem:s14], [sflag:$0x4] =	stream.indirect_vreg.gather [hbm4b:s5+s3], $0x80, v2, vm0, $0xb8;
	[tilespmem:$0x10400] =	vst v63  }
0x6f: {  	s15 =	simm.s32 $0x7400  }
0x70: {  	[tilespmem:s15], [sflag:$0x4] =	stream.indirect_vreg.gather [hbm4b:s6+s3], $0x80, v2, vm0, $0xb8;
	[tilespmem:$0x10400] =	vst v63  }
0x71: {  	s18 =	simm.s32 $0x7C00  }
0x72: {  	[tilespmem:s18], [sflag:$0x4] =	stream.indirect_vreg.gather [hbm4b:s7+s3], $0x80, v2, vm0, $0xb8;
	[tilespmem:$0x10400] =	vst v63  }
0x73: {  	v2 =	vld.msk [tilespmem:$0x20], $0xff;
	_ =	sdelay $0x4  }
0x74: {  	v3 =	vshll.u32 v2, $0x3  }
0x75: {  	v2 =	vand.u32 $0x7, v2;
	v3 =	vand.u32 $0xFFFFFFC0, v3  }
0x76: {  	v2 =	vor.u32 v2, v3  }
0x77: {  	v2 =	vperm.xlane v2, v0;
	_ =	sdelay $0x1  }
0x78: {  	v2 =	vadd.s32 v1, v2;
	_ =	sdelay $0x4  }
0x79: {  	[tilespmem:s29], [sflag:$0x5] =	stream.indirect_vreg.gather [hbm4b:s2+s3], $0x80, v2, vm0, $0xb8;
	[tilespmem:$0x10400] =	vst v63  }
0x7a: {  	s20 =	simm.s32 $0x8C00  }
0x7b: {  	[tilespmem:s20], [sflag:$0x5] =	stream.indirect_vreg.gather [hbm4b:s5+s3], $0x80, v2, vm0, $0xb8;
	[tilespmem:$0x10400] =	vst v63  }
0x7c: {  	s24 =	simm.s32 $0x9400  }
0x7d: {  	[tilespmem:s24], [sflag:$0x5] =	stream.indirect_vreg.gather [hbm4b:s6+s3], $0x80, v2, vm0, $0xb8;
	[tilespmem:$0x10400] =	vst v63  }
0x7e: {  	s14 =	simm.s32 $0x9C00  }
0x7f: {  	[tilespmem:s14], [sflag:$0x5] =	stream.indirect_vreg.gather [hbm4b:s7+s3], $0x80, v2, vm0, $0xb8;
	[tilespmem:$0x10400] =	vst v63  }
0x80: {  	v2 =	vld.msk [tilespmem:$0x28], $0xff;
	_ =	sdelay $0x4  }
0x81: {  	v3 =	vshll.u32 v2, $0x3  }
0x82: {  	v2 =	vand.u32 $0x7, v2;
	v3 =	vand.u32 $0xFFFFFFC0, v3  }
0x83: {  	v2 =	vor.u32 v2, v3  }
0x84: {  	v2 =	vperm.xlane v2, v0;
	_ =	sdelay $0x1  }
0x85: {  	v2 =	vadd.s32 v1, v2;
	_ =	sdelay $0x4  }
0x86: {  	[tilespmem:s0], [sflag:$0x6] =	stream.indirect_vreg.gather [hbm4b:s2+s3], $0x80, v2, vm0, $0xb8;
	[tilespmem:$0x10400] =	vst v63  }
0x87: {  	s15 =	simm.s32 $0xAC00  }
0x88: {  	[tilespmem:s15], [sflag:$0x6] =	stream.indirect_vreg.gather [hbm4b:s5+s3], $0x80, v2, vm0, $0xb8;
	[tilespmem:$0x10400] =	vst v63  }
0x89: {  	s18 =	simm.s32 $0xB400  }
0x8a: {  	[tilespmem:s18], [sflag:$0x6] =	stream.indirect_vreg.gather [hbm4b:s6+s3], $0x80, v2, vm0, $0xb8;
	[tilespmem:$0x10400] =	vst v63  }
0x8b: {  	s20 =	simm.s32 $0xBC00  }
0x8c: {  	[tilespmem:s20], [sflag:$0x6] =	stream.indirect_vreg.gather [hbm4b:s7+s3], $0x80, v2, vm0, $0xb8;
	[tilespmem:$0x10400] =	vst v63  }
0x8d: {  	v2 =	vld.msk [tilespmem:$0x30], $0xff;
	_ =	sdelay $0x4  }
0x8e: {  	v3 =	vshll.u32 v2, $0x3  }
0x8f: {  	v2 =	vand.u32 $0x7, v2;
	v3 =	vand.u32 $0xFFFFFFC0, v3  }
0x90: {  	v2 =	vor.u32 v2, v3  }
0x91: {  	v2 =	vperm.xlane v2, v0;
	_ =	sdelay $0x1  }
0x92: {  	v2 =	vadd.s32 v1, v2;
	_ =	sdelay $0x4  }
0x93: {  	[tilespmem:s17], [sflag:$0x7] =	stream.indirect_vreg.gather [hbm4b:s2+s3], $0x80, v2, vm0, $0xb8;
	[tilespmem:$0x10400] =	vst v63  }
0x94: {  	s24 =	simm.s32 $0xCC00  }
0x95: {  	[tilespmem:s24], [sflag:$0x7] =	stream.indirect_vreg.gather [hbm4b:s5+s3], $0x80, v2, vm0, $0xb8;
	[tilespmem:$0x10400] =	vst v63  }
0x96: {  	_ = 	snop  }
0x97: {  	[tilespmem:s19], [sflag:$0x7] =	stream.indirect_vreg.gather [hbm4b:s6+s3], $0x80, v2, vm0, $0xb8;
	[tilespmem:$0x10400] =	vst v63  }
0x98: {  	s13 =	simm.s32 $0x0;
	s20 =	simm.s32 $0x70  }
0x99: {  	[tilespmem:s21], [sflag:$0x7] =	stream.indirect_vreg.gather [hbm4b:s7+s3], $0x80, v2, vm0, $0xb8;
	[tilespmem:$0x10400] =	vst v63  }
.LBB2_2:
0x9a: {  	_ =	swait.ge [sflag:s22], $0x2000  }
0x9b: {  	s14 =	sadd.s32 s13, s10;
	[sflag:s22] =	ssyncset.done $0x0  }
0x9c: {  	s15 =	simm.s32 $0x400;
	p0 =	seq.s32 s13, $0x0;
	[sflag:s22] =	ssyncadd.s32 $0xFFFFE000  }
0x9d: {  	[hbm4b:s14+s3] =	stream.linear.scatter [tilespmem:s15], [sflag:$0x9], $0x2000, $0x38;
	[tilespmem:$0x10400] =	vst v63  }
0x9e: {  	s15 =	simm.s32 @!p0 $0x10  }
0x9f: {  	_ =	swait.ge @!p0 [sflag:s15], $0x2000  }
0xa0: {  	[sflag:s15] =	ssyncset.done @!p0 $0x0  }
0xa1: {  	[sflag:s15] =	ssyncadd.s32 @!p0 $0xFFFFE000  }
0xa2: {  	v2 =	vld.msk [tilespmem:s20+$0xFFFFFFC8], $0xff;
	_ =	sdelay $0x4  }
0xa3: {  	v3 =	vshll.u32 v2, $0x3  }
0xa4: {  	v2 =	vand.u32 $0x7, v2;
	v3 =	vand.u32 $0xFFFFFFC0, v3  }
0xa5: {  	v2 =	vor.u32 v2, v3  }
0xa6: {  	v2 =	vperm.xlane v2, v0;
	_ =	sdelay $0x1  }
0xa7: {  	v2 =	vadd.s32 v1, v2;
	_ =	sdelay $0x4  }
0xa8: {  	[tilespmem:s23], [sflag:$0x8] =	stream.indirect_vreg.gather [hbm4b:s2+s3], $0x80, v2, vm0, $0xb8;
	[tilespmem:$0x10400] =	vst v63  }
0xa9: {  	_ = 	snop  }
0xaa: {  	[tilespmem:s25], [sflag:$0x8] =	stream.indirect_vreg.gather [hbm4b:s5+s3], $0x80, v2, vm0, $0xb8;
	[tilespmem:$0x10400] =	vst v63  }
0xab: {  	_ = 	snop  }
0xac: {  	[tilespmem:s26], [sflag:$0x8] =	stream.indirect_vreg.gather [hbm4b:s6+s3], $0x80, v2, vm0, $0xb8;
	[tilespmem:$0x10400] =	vst v63  }
0xad: {  	_ = 	snop  }
0xae: {  	[tilespmem:s28], [sflag:$0x8] =	stream.indirect_vreg.gather [hbm4b:s7+s3], $0x80, v2, vm0, $0xb8;
	[tilespmem:$0x10400] =	vst v63  }
0xaf: {  	_ =	swait.ge [sflag:s30], $0x2000  }
0xb0: {  	s24 =	simm.s32 $0x2400;
	p0 =	seq.s32 s13, $0x1E000;
	[sflag:s30] =	ssyncset.done $0x0  }
0xb1: {  	s18 =	sadd.s32 $0x400, s14;
	s15 =	simm.s32 @!p0 $0x9;
	[sflag:s30] =	ssyncadd.s32 $0xFFFFE000  }
0xb2: {  	[hbm4b:s18+s3] =	stream.linear.scatter [tilespmem:s24], [sflag:$0xA], $0x2000, $0x38;
	[tilespmem:$0x10400] =	vst v63  }
0xb3: {  	_ =	swait.ge @!p0 [sflag:s15], $0x2000  }
0xb4: {  	[sflag:s15] =	ssyncset.done @!p0 $0x0  }
0xb5: {  	[sflag:s15] =	ssyncadd.s32 @!p0 $0xFFFFE000  }
0xb6: {  	v2 =	vld.msk @!p0 [tilespmem:s20+$0xFFFFFFD0], $0xff;
	_ =	sdelay $0x4  }
0xb7: {  	v3 =	vshll.u32 @!p0 v2, $0x3  }
0xb8: {  	v4 =	vlaneseq.u32 @!p0;
	v2 =	vand.u32 @!p0 $0x7, v2;
	v3 =	vand.u32 @!p0 $0xFFFFFFC0, v3  }
0xb9: {  	v2 =	vor.u32 @!p0 v2, v3;
	v3 =	vand.u32 @!p0 $0x7, v4;
	v4 =	vshrl.u32 @!p0 v4, $0x3  }
0xba: {  	v2 =	vperm.xlane @!p0 v2, v3;
	v4 =	vmul.u32 @!p0 $0x8, v4;
	_ =	sdelay $0x1  }
0xbb: {  	v2 =	vadd.s32 @!p0 v4, v2;
	_ =	sdelay $0x3  }
0xbc: {  	vm1 =	vmmov @!p0 $0xffff;
	s24 =	simm.s32 @!p0 $0x400;
	s15 =	simm.s32 @!p0 $0x0  }
0xbd: {  	[tilespmem:s24], [sflag:$0x1] =	stream.indirect_vreg.gather @!p0 [hbm4b:s2+s15], $0x80, v2, vm1, $0xb8;
	[tilespmem:$0x10400] =	vst v63  }
0xbe: {  	s24 =	simm.s32 @!p0 $0xC00  }
0xbf: {  	[tilespmem:s24], [sflag:$0x1] =	stream.indirect_vreg.gather @!p0 [hbm4b:s5+s15], $0x80, v2, vm1, $0xb8;
	[tilespmem:$0x10400] =	vst v63  }
0xc0: {  	s24 =	simm.s32 @!p0 $0x1400  }
0xc1: {  	[tilespmem:s24], [sflag:$0x1] =	stream.indirect_vreg.gather @!p0 [hbm4b:s6+s15], $0x80, v2, vm1, $0xb8;
	[tilespmem:$0x10400] =	vst v63  }
0xc2: {  	s24 =	simm.s32 @!p0 $0x1C00  }
0xc3: {  	[tilespmem:s24], [sflag:$0x1] =	stream.indirect_vreg.gather @!p0 [hbm4b:s7+s15], $0x80, v2, vm1, $0xb8;
	[tilespmem:$0x10400] =	vst v63  }
0xc4: {  	_ =	swait.ge [sflag:s31], $0x2000  }
0xc5: {  	[sflag:s31] =	ssyncset.done $0x0  }
0xc6: {  	s18 =	simm.s32 $0x4400;
	s24 =	sadd.s32 $0x800, s14;
	[sflag:s31] =	ssyncadd.s32 $0xFFFFE000  }
0xc7: {  	[hbm4b:s24+s3] =	stream.linear.scatter [tilespmem:s18], [sflag:$0xB], $0x2000, $0x38;
	[tilespmem:$0x10400] =	vst v63  }
0xc8: {  	s24 =	simm.s32 @!p0 $0xA  }
0xc9: {  	_ =	swait.ge @!p0 [sflag:s24], $0x2000  }
0xca: {  	[sflag:s24] =	ssyncset.done @!p0 $0x0  }
0xcb: {  	[sflag:s24] =	ssyncadd.s32 @!p0 $0xFFFFE000  }
0xcc: {  	v2 =	vld.msk @!p0 [tilespmem:s20+$0xFFFFFFD8], $0xff;
	_ =	sdelay $0x4  }
0xcd: {  	v5 =	vshll.u32 @!p0 v2, $0x3  }
0xce: {  	v2 =	vand.u32 @!p0 $0x7, v2;
	v5 =	vand.u32 @!p0 $0xFFFFFFC0, v5  }
0xcf: {  	v2 =	vor.u32 @!p0 v2, v5  }
0xd0: {  	v2 =	vperm.xlane @!p0 v2, v3;
	_ =	sdelay $0x1  }
0xd1: {  	v2 =	vadd.s32 @!p0 v4, v2;
	_ =	sdelay $0x3  }
0xd2: {  	s24 =	simm.s32 @!p0 $0x2400  }
0xd3: {  	[tilespmem:s24], [sflag:$0x2] =	stream.indirect_vreg.gather @!p0 [hbm4b:s2+s15], $0x80, v2, vm1, $0xb8;
	[tilespmem:$0x10400] =	vst v63  }
0xd4: {  	s24 =	simm.s32 @!p0 $0x2C00  }
0xd5: {  	[tilespmem:s24], [sflag:$0x2] =	stream.indirect_vreg.gather @!p0 [hbm4b:s5+s15], $0x80, v2, vm1, $0xb8;
	[tilespmem:$0x10400] =	vst v63  }
0xd6: {  	s24 =	simm.s32 @!p0 $0x3400  }
0xd7: {  	[tilespmem:s24], [sflag:$0x2] =	stream.indirect_vreg.gather @!p0 [hbm4b:s6+s15], $0x80, v2, vm1, $0xb8;
	[tilespmem:$0x10400] =	vst v63  }
0xd8: {  	s24 =	simm.s32 @!p0 $0x3C00  }
0xd9: {  	[tilespmem:s24], [sflag:$0x2] =	stream.indirect_vreg.gather @!p0 [hbm4b:s7+s15], $0x80, v2, vm1, $0xb8;
	[tilespmem:$0x10400] =	vst v63  }
0xda: {  	_ =	swait.ge [sflag:s1], $0x2000  }
0xdb: {  	[sflag:s1] =	ssyncset.done $0x0  }
0xdc: {  	s18 =	simm.s32 $0x6400;
	s24 =	sadd.s32 $0xC00, s14;
	[sflag:s1] =	ssyncadd.s32 $0xFFFFE000  }
0xdd: {  	[hbm4b:s24+s3] =	stream.linear.scatter [tilespmem:s18], [sflag:$0xC], $0x2000, $0x38;
	[tilespmem:$0x10400] =	vst v63  }
0xde: {  	s24 =	simm.s32 @!p0 $0xB  }
0xdf: {  	_ =	swait.ge @!p0 [sflag:s24], $0x2000  }
0xe0: {  	[sflag:s24] =	ssyncset.done @!p0 $0x0  }
0xe1: {  	[sflag:s24] =	ssyncadd.s32 @!p0 $0xFFFFE000  }
0xe2: {  	v2 =	vld.msk @!p0 [tilespmem:s20+$0xFFFFFFE0], $0xff;
	_ =	sdelay $0x4  }
0xe3: {  	v5 =	vshll.u32 @!p0 v2, $0x3  }
0xe4: {  	v2 =	vand.u32 @!p0 $0x7, v2;
	v5 =	vand.u32 @!p0 $0xFFFFFFC0, v5  }
0xe5: {  	v2 =	vor.u32 @!p0 v2, v5  }
0xe6: {  	v2 =	vperm.xlane @!p0 v2, v3;
	_ =	sdelay $0x1  }
0xe7: {  	v2 =	vadd.s32 @!p0 v4, v2;
	_ =	sdelay $0x3  }
0xe8: {  	s24 =	simm.s32 @!p0 $0x4400  }
0xe9: {  	[tilespmem:s24], [sflag:$0x3] =	stream.indirect_vreg.gather @!p0 [hbm4b:s2+s15], $0x80, v2, vm1, $0xb8;
	[tilespmem:$0x10400] =	vst v63  }
0xea: {  	s24 =	simm.s32 @!p0 $0x4C00  }
0xeb: {  	[tilespmem:s24], [sflag:$0x3] =	stream.indirect_vreg.gather @!p0 [hbm4b:s5+s15], $0x80, v2, vm1, $0xb8;
	[tilespmem:$0x10400] =	vst v63  }
0xec: {  	s24 =	simm.s32 @!p0 $0x5400  }
0xed: {  	[tilespmem:s24], [sflag:$0x3] =	stream.indirect_vreg.gather @!p0 [hbm4b:s6+s15], $0x80, v2, vm1, $0xb8;
	[tilespmem:$0x10400] =	vst v63  }
0xee: {  	s24 =	simm.s32 @!p0 $0x5C00  }
0xef: {  	[tilespmem:s24], [sflag:$0x3] =	stream.indirect_vreg.gather @!p0 [hbm4b:s7+s15], $0x80, v2, vm1, $0xb8;
	[tilespmem:$0x10400] =	vst v63  }
0xf0: {  	_ =	swait.ge [sflag:s4], $0x2000  }
0xf1: {  	[sflag:s4] =	ssyncset.done $0x0  }
0xf2: {  	s18 =	sadd.s32 $0x1000, s14;
	s24 =	simm.s32 @!p0 $0xC;
	[sflag:s4] =	ssyncadd.s32 $0xFFFFE000  }
0xf3: {  	[hbm4b:s18+s3] =	stream.linear.scatter [tilespmem:s29], [sflag:$0xD], $0x2000, $0x38;
	[tilespmem:$0x10400] =	vst v63  }
0xf4: {  	_ =	swait.ge @!p0 [sflag:s24], $0x2000  }
0xf5: {  	[sflag:s24] =	ssyncset.done @!p0 $0x0  }
0xf6: {  	[sflag:s24] =	ssyncadd.s32 @!p0 $0xFFFFE000  }
0xf7: {  	v2 =	vld.msk @!p0 [tilespmem:s20+$0xFFFFFFE8], $0xff;
	_ =	sdelay $0x4  }
0xf8: {  	v5 =	vshll.u32 @!p0 v2, $0x3  }
0xf9: {  	v2 =	vand.u32 @!p0 $0x7, v2;
	v5 =	vand.u32 @!p0 $0xFFFFFFC0, v5  }
0xfa: {  	v2 =	vor.u32 @!p0 v2, v5  }
0xfb: {  	v2 =	vperm.xlane @!p0 v2, v3;
	_ =	sdelay $0x1  }
0xfc: {  	v2 =	vadd.s32 @!p0 v4, v2;
	_ =	sdelay $0x3  }
0xfd: {  	s24 =	simm.s32 @!p0 $0x6400  }
0xfe: {  	[tilespmem:s24], [sflag:$0x4] =	stream.indirect_vreg.gather @!p0 [hbm4b:s2+s15], $0x80, v2, vm1, $0xb8;
	[tilespmem:$0x10400] =	vst v63  }
0xff: {  	s24 =	simm.s32 @!p0 $0x6C00  }
0x100: {  	[tilespmem:s24], [sflag:$0x4] =	stream.indirect_vreg.gather @!p0 [hbm4b:s5+s15], $0x80, v2, vm1, $0xb8;
	[tilespmem:$0x10400] =	vst v63  }
0x101: {  	s24 =	simm.s32 @!p0 $0x7400  }
0x102: {  	[tilespmem:s24], [sflag:$0x4] =	stream.indirect_vreg.gather @!p0 [hbm4b:s6+s15], $0x80, v2, vm1, $0xb8;
	[tilespmem:$0x10400] =	vst v63  }
0x103: {  	s24 =	simm.s32 @!p0 $0x7C00  }
0x104: {  	[tilespmem:s24], [sflag:$0x4] =	stream.indirect_vreg.gather @!p0 [hbm4b:s7+s15], $0x80, v2, vm1, $0xb8;
	[tilespmem:$0x10400] =	vst v63  }
0x105: {  	_ =	swait.ge [sflag:s8], $0x2000  }
0x106: {  	[sflag:s8] =	ssyncset.done $0x0  }
0x107: {  	s18 =	sadd.s32 $0x1400, s14;
	s24 =	simm.s32 @!p0 $0xD;
	[sflag:s8] =	ssyncadd.s32 $0xFFFFE000  }
0x108: {  	[hbm4b:s18+s3] =	stream.linear.scatter [tilespmem:s0], [sflag:$0xE], $0x2000, $0x38;
	[tilespmem:$0x10400] =	vst v63  }
0x109: {  	_ =	swait.ge @!p0 [sflag:s24], $0x2000  }
0x10a: {  	[sflag:s24] =	ssyncset.done @!p0 $0x0  }
0x10b: {  	[sflag:s24] =	ssyncadd.s32 @!p0 $0xFFFFE000  }
0x10c: {  	v2 =	vld.msk @!p0 [tilespmem:s20+$0xFFFFFFF0], $0xff;
	_ =	sdelay $0x4  }
0x10d: {  	v5 =	vshll.u32 @!p0 v2, $0x3  }
0x10e: {  	v2 =	vand.u32 @!p0 $0x7, v2;
	v5 =	vand.u32 @!p0 $0xFFFFFFC0, v5  }
0x10f: {  	v2 =	vor.u32 @!p0 v2, v5  }
0x110: {  	v2 =	vperm.xlane @!p0 v2, v3;
	_ =	sdelay $0x1  }
0x111: {  	v2 =	vadd.s32 @!p0 v4, v2;
	_ =	sdelay $0x3  }
0x112: {  	s24 =	simm.s32 @!p0 $0x8400  }
0x113: {  	[tilespmem:s24], [sflag:$0x5] =	stream.indirect_vreg.gather @!p0 [hbm4b:s2+s15], $0x80, v2, vm1, $0xb8;
	[tilespmem:$0x10400] =	vst v63  }
0x114: {  	s24 =	simm.s32 @!p0 $0x8C00  }
0x115: {  	[tilespmem:s24], [sflag:$0x5] =	stream.indirect_vreg.gather @!p0 [hbm4b:s5+s15], $0x80, v2, vm1, $0xb8;
	[tilespmem:$0x10400] =	vst v63  }
0x116: {  	s24 =	simm.s32 @!p0 $0x9400  }
0x117: {  	[tilespmem:s24], [sflag:$0x5] =	stream.indirect_vreg.gather @!p0 [hbm4b:s6+s15], $0x80, v2, vm1, $0xb8;
	[tilespmem:$0x10400] =	vst v63  }
0x118: {  	s24 =	simm.s32 @!p0 $0x9C00  }
0x119: {  	[tilespmem:s24], [sflag:$0x5] =	stream.indirect_vreg.gather @!p0 [hbm4b:s7+s15], $0x80, v2, vm1, $0xb8;
	[tilespmem:$0x10400] =	vst v63  }
.Ltmp2:
0x11a: {  	_ = 	snop;
	(pc) =	sbr.rel @p0 .LBB2_4-.Ltmp2, $4  }
0x11b: {  	_ =	swait.ge [sflag:s9], $0x2000  }
0x11c: {  	[sflag:s9] =	ssyncset.done $0x0  }
0x11d: {  	s24 =	sadd.s32 $0x1800, s14;
	[sflag:s9] =	ssyncadd.s32 $0xFFFFE000  }
0x11e: {  	[hbm4b:s24+s3] =	stream.linear.scatter [tilespmem:s17], [sflag:$0xF], $0x2000, $0x38;
	[tilespmem:$0x10400] =	vst v63  }
0x11f: {  	_ =	swait.ge [sflag:s12], $0x2000  }
0x120: {  	[sflag:s12] =	ssyncset.done $0x0  }
0x121: {  	[sflag:s12] =	ssyncadd.s32 $0xFFFFE000  }
0x122: {  	v2 =	vld.msk [tilespmem:s20+$0xFFFFFFF8], $0xff;
	_ =	sdelay $0x4  }
0x123: {  	v3 =	vshll.u32 v2, $0x3  }
0x124: {  	v2 =	vand.u32 $0x7, v2;
	v3 =	vand.u32 $0xFFFFFFC0, v3  }
0x125: {  	v2 =	vor.u32 v2, v3  }
0x126: {  	v2 =	vperm.xlane v2, v0;
	_ =	sdelay $0x1  }
0x127: {  	v2 =	vadd.s32 v1, v2;
	_ =	sdelay $0x4  }
0x128: {  	[tilespmem:s0], [sflag:$0x6] =	stream.indirect_vreg.gather [hbm4b:s2+s3], $0x80, v2, vm0, $0xb8;
	[tilespmem:$0x10400] =	vst v63  }
0x129: {  	s15 =	simm.s32 $0xAC00  }
0x12a: {  	[tilespmem:s15], [sflag:$0x6] =	stream.indirect_vreg.gather [hbm4b:s5+s3], $0x80, v2, vm0, $0xb8;
	[tilespmem:$0x10400] =	vst v63  }
0x12b: {  	s24 =	simm.s32 $0xB400  }
0x12c: {  	[tilespmem:s24], [sflag:$0x6] =	stream.indirect_vreg.gather [hbm4b:s6+s3], $0x80, v2, vm0, $0xb8;
	[tilespmem:$0x10400] =	vst v63  }
0x12d: {  	s18 =	simm.s32 $0xBC00  }
0x12e: {  	[tilespmem:s18], [sflag:$0x6] =	stream.indirect_vreg.gather [hbm4b:s7+s3], $0x80, v2, vm0, $0xb8;
	[tilespmem:$0x10400] =	vst v63  }
0x12f: {  	_ =	swait.ge [sflag:s11], $0x2000  }
0x130: {  	[sflag:s11] =	ssyncset.done $0x0  }
0x131: {  	s14 =	sadd.s32 $0x1C00, s14;
	[sflag:s11] =	ssyncadd.s32 $0xFFFFE000  }
0x132: {  	[hbm4b:s14+s3] =	stream.linear.scatter [tilespmem:s23], [sflag:$0x10], $0x2000, $0x38;
	[tilespmem:$0x10400] =	vst v63  }
0x133: {  	_ =	swait.ge [sflag:s16], $0x2000  }
0x134: {  	[sflag:s16] =	ssyncset.done $0x0  }
0x135: {  	[sflag:s16] =	ssyncadd.s32 $0xFFFFE000  }
0x136: {  	v2 =	vld.msk [tilespmem:s20+$0x0], $0xff;
	_ =	sdelay $0x4  }
0x137: {  	v3 =	vshll.u32 v2, $0x3  }
0x138: {  	v2 =	vand.u32 $0x7, v2;
	v3 =	vand.u32 $0xFFFFFFC0, v3  }
0x139: {  	v2 =	vor.u32 v2, v3  }
0x13a: {  	v2 =	vperm.xlane v2, v0;
	_ =	sdelay $0x1  }
0x13b: {  	v2 =	vadd.s32 v1, v2;
	_ =	sdelay $0x4  }
0x13c: {  	[tilespmem:s17], [sflag:$0x7] =	stream.indirect_vreg.gather [hbm4b:s2+s3], $0x80, v2, vm0, $0xb8;
	[tilespmem:$0x10400] =	vst v63  }
0x13d: {  	s24 =	simm.s32 $0xCC00  }
0x13e: {  	[tilespmem:s24], [sflag:$0x7] =	stream.indirect_vreg.gather [hbm4b:s5+s3], $0x80, v2, vm0, $0xb8;
	[tilespmem:$0x10400] =	vst v63  }
.Ltmp3:
0x13f: {  	_ = 	snop;
	(pc) =	sbr.rel .LBB2_2-.Ltmp3, $4  }
0x140: {  	_ = 	snop  }
0x141: {  	[tilespmem:s19], [sflag:$0x7] =	stream.indirect_vreg.gather [hbm4b:s6+s3], $0x80, v2, vm0, $0xb8;
	[tilespmem:$0x10400] =	vst v63  }
0x142: {  	s13 =	sadd.s32 $0x2000, s13;
	s20 =	sadd.s32 $0x40, s20  }
0x143: {  	[tilespmem:s21], [sflag:$0x7] =	stream.indirect_vreg.gather [hbm4b:s7+s3], $0x80, v2, vm0, $0xb8;
	[tilespmem:$0x10400] =	vst v63  }
.LBB2_5:
0x144: {  	_ =	sfence.sel $0x180000  }
0x145: {  	[bflag:$0x0] =	sbarrier.arrive $0xFFFF  }
0x146: {  	_ =	strace $0x90000047  }
0x147: {  	s0 =	stileid.u32;
	[bflag:$0x2] =	sbarrier.arrive $0xFFFF  }
0x148: {  	p0 =	sne.s32 s0, $0x0;
	s0 =	rddreg [dreg:$0x3]  }
0x149: {  	s0 =	sadd.s32 @!p0 $0x100000, s0  }
0x14a: {  	[sflag:s0] =	ssyncadd.tile.s32 @!p0 $0x1;
	_ =	shalt  }
.Lfunc_end2:
_tile_overlayer_lowered:
.L_overlay_start_2:
0x14b: {  	(tag) =	ssettag $0x2  }
0x14c: {  	s0 =	rddreg [dreg:$0x0];
	s2 =	stileid.u32  }
0x14d: {  	s1 =	rddreg [dreg:$0x1];
	p0 =	sne.s32 s2, $0x0  }
0x14e: {  	s3 =	rddreg [dreg:$0x2];
	[bflag:$0x3] =	sbarrier.arrive $0xFFFF;
	s2 =	simm.s32 @!p0 $0x1C11  }
0x14f: {  	[timem:s3], [sflag:s2] =	dma.local @!p0 [hbm:s0], s1  }
0x150: {  	s0 =	simm.s32 @!p0 $0x11  }
0x151: {  	_ =	swait.ge @!p0 [sflag:s0], s1  }
0x152: {  	s1 =	ssub.s32 @!p0 $0x0, s1;
	[sflag:s0] =	ssyncset.done @!p0 $0x0  }
0x153: {  	[sflag:s0] =	ssyncadd.s32 @!p0 s1  }
0x154: {  	[bflag:$0x3] =	sbarrier.arrive $0xFFFF  }
0x155: {  	_ =	shalt  }

</sc_bundles>
